<compile_context>
chip_gen: v7x
topology: tpu7x:2x2x1
jax: 0.10.2.dev20260603
libtpu: 0.0.44.dev20260713+nightly
codegen_flags: <defaults>
</compile_context>

<pallas_src>
import functools

import jax
import jax.numpy as jnp
from jax.experimental import pallas as pl
from jax.experimental.pallas import tpu as pltpu
from jax.experimental.pallas import tpu_sc as plsc
from jax import lax


_BH = 8


def _sc_gather(num_steps, alpha_bars):
    info = plsc.get_sparse_core_info()
    nw = info.num_cores * info.num_subcores
    b = num_steps.shape[0]
    bpw = b // nw
    mesh = plsc.VectorSubcoreMesh(core_axis_name="c", subcore_axis_name="s")

    @functools.partial(
        pl.kernel,
        mesh=mesh,
        out_type=jax.ShapeDtypeStruct((b,), jnp.float32),
        scratch_types=[
            pltpu.VMEM((bpw,), jnp.int32),
            pltpu.VMEM((bpw,), jnp.float32),
            pltpu.SemaphoreType.DMA,
        ],
    )
    def k(idx_hbm, table_hbm, out_hbm, idx_v, vals_v, sem):
        wid = lax.axis_index("s") * info.num_cores + lax.axis_index("c")
        base = wid * bpw
        pltpu.sync_copy(idx_hbm.at[pl.ds(base, bpw)], idx_v)
        pltpu.async_copy(table_hbm.at[idx_v], vals_v, sem).wait()
        pltpu.sync_copy(vals_v, out_hbm.at[pl.ds(base, bpw)])

    return k(num_steps, alpha_bars)


def _tc_body(vals_ref, out_ref, buf_ref, sem_ref):
    vals = vals_ref[...]
    buf_ref[...] = jnp.broadcast_to(vals[None, :, :], buf_ref.shape)

    c, h, w, _ = out_ref.shape
    nj = h // _BH
    copies = []
    for ci in range(c):
        for j in range(nj):
            cp = pltpu.make_async_copy(
                buf_ref,
                out_ref.at[ci, pl.ds(j * _BH, _BH)],
                sem_ref.at[ci * nj + j],
            )
            cp.start()
            copies.append(cp)
    for cp in copies:
        cp.wait()


def kernel(img, num_steps, alpha_bars):
    b, c, h, w = img.shape
    vals = _sc_gather(num_steps, alpha_bars)
    ndma = c * (h // _BH)

    out_t = pl.pallas_call(
        _tc_body,
        in_specs=[pl.BlockSpec(memory_space=pltpu.VMEM)],
        out_specs=pl.BlockSpec(memory_space=pl.ANY),
        out_shape=jax.ShapeDtypeStruct((c, h, w, b), jnp.float32),
        scratch_shapes=[
            pltpu.VMEM((_BH, w, b), jnp.float32),
            pltpu.SemaphoreType.DMA((ndma,)),
        ],
    )(vals.reshape(1, b))
    return jnp.transpose(out_t, (3, 0, 1, 2))

# --- scband reference (transcript-rebuilt; emitter-appended) ---
"""Pipeline reference for scband-noise-schedule-42099269436048 (READ-ONLY COPY).

The authoritative reference and input builder live on the scoring server;
editing this copy changes nothing except your own understanding.
"""

import jax, jax.numpy as jnp
import numpy as np

MAX_STEPS = 1000
MIN_NOISE = 1e-4
MAX_NOISE = 0.02


def setup_inputs(seed: int = 0) -> dict:
    key = jax.random.key(seed)
    k1, k2 = jax.random.split(key)
    img = jax.random.normal(k1, (1024, 3, 64, 64), dtype=jnp.float32)
    num_steps = jax.random.randint(k2, (1024,), 0, MAX_STEPS, dtype=jnp.int32)
    # buffers built exactly as in NoiseSchedule.__init__
    betas = jnp.linspace(MIN_NOISE, MAX_NOISE, MAX_STEPS, dtype=jnp.float32)
    alphas = 1.0 - betas
    alpha_bars = jnp.cumprod(alphas, axis=0)
    return {"img": img, "num_steps": num_steps, "alpha_bars": alpha_bars}


def reference(img, num_steps, alpha_bars):
    # NoiseSchedule.alpha_bar: embedding-style gather from the precomputed schedule buffer
    ab = jnp.take(alpha_bars, num_steps, axis=0)  # (b,)
    # alpha_bar_like: repeat 'b -> b c h w' to match img
    c, h, w = img.shape[-3:]
    out = jnp.broadcast_to(ab[:, None, None, None], (ab.shape[0], c, h, w))
    return out

if __name__ == "__main__":
    import jax
    _d = setup_inputs()
    print(jax.jit(kernel)(*tuple(_d.values())))

</pallas_src>

<mosaic_0001>
#map = affine_map<(d0, d1) -> (0)>
module attributes {stable_mosaic.version = 14 : i64} {
  func.func @k(%arg0: i32, %arg1: i32, %arg2: memref<1024xi32, #tpu.memory_space<hbm>>, %arg3: memref<1000xf32, #tpu.memory_space<hbm>>, %arg4: memref<1024xf32, #tpu.memory_space<hbm>>, %arg5: memref<32xi32, #tpu.memory_space<vmem>>, %arg6: memref<32xf32, #tpu.memory_space<vmem>>, %arg7: memref<!tpu.dma_semaphore, #tpu.memory_space<semaphore_mem>>) attributes {dimension_semantics = [#tpu.dimension_semantics<core_parallel>, #tpu.dimension_semantics<subcore_parallel>], iteration_bounds = array<i64: 2, 16>, scalar_prefetch = 0 : i64, scratch_operands = 3 : i64, tpu.core_type = #tpu.core_type<sc_vector_subcore>, window_params = [{transform_indices = #map}, {transform_indices = #map}, {transform_indices = #map}]} {
    %mul3A = arith.constant 2 : i32
    %mul3A_0 = arith.muli %arg1, %mul3A : i32
    %add3A = arith.addi %mul3A_0, %arg0 : i32
    %mul3A_1 = arith.constant 32 : i32
    %mul3A_2 = arith.muli %add3A, %mul3A_1 : i32
    "tpu.region"() ({
      %run_scoped3A = tpu.sem_alloc : memref<!tpu.dma_semaphore, #tpu.memory_space<semaphore_mem>>
      %dma_start3A_5 = tpu.memref_slice %arg2[%mul3A_2] : memref<1024xi32, #tpu.memory_space<hbm>> -> memref<32xi32, #tpu.memory_space<hbm>>
      %dma_start3A_6 = tpu.memref_slice %arg2[%mul3A_2] : memref<1024xi32, #tpu.memory_space<hbm>> -> memref<32xi32, #tpu.memory_space<hbm>>
      tpu.enqueue_dma source(%dma_start3A_6 : memref<32xi32, #tpu.memory_space<hbm>>) target(%arg5 : memref<32xi32, #tpu.memory_space<vmem>>) target_semaphore(%run_scoped3A : memref<!tpu.dma_semaphore, #tpu.memory_space<semaphore_mem>>)
      %dma_wait3A_7 = tpu.memref_slice %arg2[%mul3A_2] : memref<1024xi32, #tpu.memory_space<hbm>> -> memref<32xi32, #tpu.memory_space<hbm>>
      %dma_wait3A_8 = tpu.memref_slice %arg2[%mul3A_2] : memref<1024xi32, #tpu.memory_space<hbm>> -> memref<32xi32, #tpu.memory_space<hbm>>
      tpu.wait_dma2 semaphore(%run_scoped3A : memref<!tpu.dma_semaphore, #tpu.memory_space<semaphore_mem>>) src(%dma_wait3A_8 : memref<32xi32, #tpu.memory_space<hbm>>) dst(%arg5 : memref<32xi32, #tpu.memory_space<vmem>>)
      tpu.yield
    }) : () -> ()
    %dma_start3A = arith.constant 0 : i32
    %dma_start3A_3 = tpu.memref_slice %arg3[%dma_start3A] : memref<1000xf32, #tpu.memory_space<hbm>> -> memref<1000xf32, #tpu.memory_space<hbm>>
    tpu.enqueue_indirect_dma source(%dma_start3A_3 : memref<1000xf32, #tpu.memory_space<hbm>>) target(%arg6 : memref<32xf32, #tpu.memory_space<vmem>>) offsets(%arg5 : memref<32xi32, #tpu.memory_space<vmem>>) semaphore(%arg7 : memref<!tpu.dma_semaphore, #tpu.memory_space<semaphore_mem>>)
    %dma_wait3A = arith.constant 0 : i32
    %dma_wait3A_4 = tpu.memref_slice %arg3[%dma_wait3A] : memref<1000xf32, #tpu.memory_space<hbm>> -> memref<1000xf32, #tpu.memory_space<hbm>>
    tpu.wait_indirect_dma semaphore(%arg7 : memref<!tpu.dma_semaphore, #tpu.memory_space<semaphore_mem>>) src(%dma_wait3A_4 : memref<1000xf32, #tpu.memory_space<hbm>>) dst(%arg6 : memref<32xf32, #tpu.memory_space<vmem>>)
    "tpu.region"() ({
      %run_scoped3A = tpu.sem_alloc : memref<!tpu.dma_semaphore, #tpu.memory_space<semaphore_mem>>
      %dma_start3A_5 = tpu.memref_slice %arg4[%mul3A_2] : memref<1024xf32, #tpu.memory_space<hbm>> -> memref<32xf32, #tpu.memory_space<hbm>>
      %dma_start3A_6 = tpu.memref_slice %arg4[%mul3A_2] : memref<1024xf32, #tpu.memory_space<hbm>> -> memref<32xf32, #tpu.memory_space<hbm>>
      tpu.enqueue_dma source(%arg6 : memref<32xf32, #tpu.memory_space<vmem>>) target(%dma_start3A_6 : memref<32xf32, #tpu.memory_space<hbm>>) target_semaphore(%run_scoped3A : memref<!tpu.dma_semaphore, #tpu.memory_space<semaphore_mem>>)
      %dma_wait3A_7 = tpu.memref_slice %arg4[%mul3A_2] : memref<1024xf32, #tpu.memory_space<hbm>> -> memref<32xf32, #tpu.memory_space<hbm>>
      %dma_wait3A_8 = tpu.memref_slice %arg4[%mul3A_2] : memref<1024xf32, #tpu.memory_space<hbm>> -> memref<32xf32, #tpu.memory_space<hbm>>
      tpu.wait_dma2 semaphore(%run_scoped3A : memref<!tpu.dma_semaphore, #tpu.memory_space<semaphore_mem>>) src(%arg6 : memref<32xf32, #tpu.memory_space<vmem>>) dst(%dma_wait3A_8 : memref<32xf32, #tpu.memory_space<hbm>>)
      tpu.yield
    }) : () -> ()
    return
  }
}

module attributes {stable_mosaic.version = 14 : i64} {
  func.func @_tc_body(%arg0: memref<1x1024xf32, #tpu.memory_space<vmem>>, %arg1: memref<3x64x64x1024xf32, #tpu.memory_space<any>>, %arg2: memref<8x64x1024xf32, #tpu.memory_space<vmem>>, %arg3: memref<24x!tpu.dma_semaphore, #tpu.memory_space<semaphore_mem>>) attributes {dimension_semantics = [], scalar_prefetch = 0 : i64, scratch_operands = 2 : i64, tpu.core_type = #tpu.core_type<tc>} {
    %get3A = arith.constant 0 : index
    %get3A_0 = arith.constant 0 : index
    %get3A_1 = vector.load %arg0[%get3A, %get3A_0] : memref<1x1024xf32, #tpu.memory_space<vmem>>, vector<1x1024xf32>
    %broadcast_in_dim3A = vector.shape_cast %get3A_1 : vector<1x1024xf32> to vector<1x1x1024xf32>
    %broadcast_in_dim3A_2 = vector.shape_cast %broadcast_in_dim3A : vector<1x1x1024xf32> to vector<1x1x1024xf32>
    %broadcast_in_dim3A_3 = vector.broadcast %broadcast_in_dim3A_2 : vector<1x1x1024xf32> to vector<8x64x1024xf32>
    %swap3A = arith.constant 0 : index
    %swap3A_4 = arith.constant 0 : index
    %swap3A_5 = arith.constant 0 : index
    %swap3A_6 = vector.load %arg2[%swap3A, %swap3A_4, %swap3A_5] : memref<8x64x1024xf32, #tpu.memory_space<vmem>>, vector<8x64x1024xf32>
    tpu.vector_store %arg2[%swap3A, %swap3A_4, %swap3A_5], %broadcast_in_dim3A_3 {strides = array<i32>} : memref<8x64x1024xf32, #tpu.memory_space<vmem>>, vector<8x64x1024xf32>,
    %dma_start3A = arith.constant 0 : i32
    %dma_start3A_7 = arith.constant 0 : i32
    %dma_start3A_8 = tpu.memref_slice %arg3[%dma_start3A_7] : memref<24x!tpu.dma_semaphore, #tpu.memory_space<semaphore_mem>> -> memref<1x!tpu.dma_semaphore, #tpu.memory_space<semaphore_mem>>
    %dma_start3A_9 = tpu.memref_squeeze %dma_start3A_8 : memref<1x!tpu.dma_semaphore, #tpu.memory_space<semaphore_mem>> -> memref<!tpu.dma_semaphore, #tpu.memory_space<semaphore_mem>>
    %dma_start3A_10 = arith.constant 0 : i32
    %dma_start3A_11 = arith.constant 0 : i32
    %dma_start3A_12 = arith.constant 0 : i32
    %dma_start3A_13 = tpu.memref_slice %arg1[%dma_start3A, %dma_start3A_10, %dma_start3A_11, %dma_start3A_12] : memref<3x64x64x1024xf32, #tpu.memory_space<any>> -> memref<1x8x64x1024xf32, #tpu.memory_space<any>>
    %dma_start3A_14 = tpu.memref_squeeze %dma_start3A_13 : memref<1x8x64x1024xf32, #tpu.memory_space<any>> -> memref<8x64x1024xf32, #tpu.memory_space<any>>
    tpu.enqueue_dma source(%arg2 : memref<8x64x1024xf32, #tpu.memory_space<vmem>>) target(%dma_start3A_14 : memref<8x64x1024xf32, #tpu.memory_space<any>>) target_semaphore(%dma_start3A_9 : memref<!tpu.dma_semaphore, #tpu.memory_space<semaphore_mem>>)
    %dma_start3A_15 = arith.constant 0 : i32
    %dma_start3A_16 = arith.constant 1 : i32
    %dma_start3A_17 = tpu.memref_slice %arg3[%dma_start3A_16] : memref<24x!tpu.dma_semaphore, #tpu.memory_space<semaphore_mem>> -> memref<1x!tpu.dma_semaphore, #tpu.memory_space<semaphore_mem>>
    %dma_start3A_18 = tpu.memref_squeeze %dma_start3A_17 : memref<1x!tpu.dma_semaphore, #tpu.memory_space<semaphore_mem>> -> memref<!tpu.dma_semaphore, #tpu.memory_space<semaphore_mem>>
    %dma_start3A_19 = arith.constant 8 : i32
    %dma_start3A_20 = arith.constant 0 : i32
    %dma_start3A_21 = arith.constant 0 : i32
    %dma_start3A_22 = tpu.memref_slice %arg1[%dma_start3A_15, %dma_start3A_19, %dma_start3A_20, %dma_start3A_21] : memref<3x64x64x1024xf32, #tpu.memory_space<any>> -> memref<1x8x64x1024xf32, #tpu.memory_space<any>>
    %dma_start3A_23 = tpu.memref_squeeze %dma_start3A_22 : memref<1x8x64x1024xf32, #tpu.memory_space<any>> -> memref<8x64x1024xf32, #tpu.memory_space<any>>
    tpu.enqueue_dma source(%arg2 : memref<8x64x1024xf32, #tpu.memory_space<vmem>>) target(%dma_start3A_23 : memref<8x64x1024xf32, #tpu.memory_space<any>>) target_semaphore(%dma_start3A_18 : memref<!tpu.dma_semaphore, #tpu.memory_space<semaphore_mem>>)
    %dma_start3A_24 = arith.constant 0 : i32
    %dma_start3A_25 = arith.constant 2 : i32
    %dma_start3A_26 = tpu.memref_slice %arg3[%dma_start3A_25] : memref<24x!tpu.dma_semaphore, #tpu.memory_space<semaphore_mem>> -> memref<1x!tpu.dma_semaphore, #tpu.memory_space<semaphore_mem>>
    %dma_start3A_27 = tpu.memref_squeeze %dma_start3A_26 : memref<1x!tpu.dma_semaphore, #tpu.memory_space<semaphore_mem>> -> memref<!tpu.dma_semaphore, #tpu.memory_space<semaphore_mem>>
    %dma_start3A_28 = arith.constant 16 : i32
    %dma_start3A_29 = arith.constant 0 : i32
    %dma_start3A_30 = arith.constant 0 : i32
    %dma_start3A_31 = tpu.memref_slice %arg1[%dma_start3A_24, %dma_start3A_28, %dma_start3A_29, %dma_start3A_30] : memref<3x64x64x1024xf32, #tpu.memory_space<any>> -> memref<1x8x64x1024xf32, #tpu.memory_space<any>>
    %dma_start3A_32 = tpu.memref_squeeze %dma_start3A_31 : memref<1x8x64x1024xf32, #tpu.memory_space<any>> -> memref<8x64x1024xf32, #tpu.memory_space<any>>
    tpu.enqueue_dma source(%arg2 : memref<8x64x1024xf32, #tpu.memory_space<vmem>>) target(%dma_start3A_32 : memref<8x64x1024xf32, #tpu.memory_space<any>>) target_semaphore(%dma_start3A_27 : memref<!tpu.dma_semaphore, #tpu.memory_space<semaphore_mem>>)
    %dma_start3A_33 = arith.constant 0 : i32
    %dma_start3A_34 = arith.constant 3 : i32
    %dma_start3A_35 = tpu.memref_slice %arg3[%dma_start3A_34] : memref<24x!tpu.dma_semaphore, #tpu.memory_space<semaphore_mem>> -> memref<1x!tpu.dma_semaphore, #tpu.memory_space<semaphore_mem>>
    %dma_start3A_36 = tpu.memref_squeeze %dma_start3A_35 : memref<1x!tpu.dma_semaphore, #tpu.memory_space<semaphore_mem>> -> memref<!tpu.dma_semaphore, #tpu.memory_space<semaphore_mem>>
    %dma_start3A_37 = arith.constant 24 : i32
    %dma_start3A_38 = arith.constant 0 : i32
    %dma_start3A_39 = arith.constant 0 : i32
    %dma_start3A_40 = tpu.memref_slice %arg1[%dma_start3A_33, %dma_start3A_37, %dma_start3A_38, %dma_start3A_39] : memref<3x64x64x1024xf32, #tpu.memory_space<any>> -> memref<1x8x64x1024xf32, #tpu.memory_space<any>>
    %dma_start3A_41 = tpu.memref_squeeze %dma_start3A_40 : memref<1x8x64x1024xf32, #tpu.memory_space<any>> -> memref<8x64x1024xf32, #tpu.memory_space<any>>
    tpu.enqueue_dma source(%arg2 : memref<8x64x1024xf32, #tpu.memory_space<vmem>>) target(%dma_start3A_41 : memref<8x64x1024xf32, #tpu.memory_space<any>>) target_semaphore(%dma_start3A_36 : memref<!tpu.dma_semaphore, #tpu.memory_space<semaphore_mem>>)
    %dma_start3A_42 = arith.constant 0 : i32
    %dma_start3A_43 = arith.constant 4 : i32
    %dma_start3A_44 = tpu.memref_slice %arg3[%dma_start3A_43] : memref<24x!tpu.dma_semaphore, #tpu.memory_space<semaphore_mem>> -> memref<1x!tpu.dma_semaphore, #tpu.memory_space<semaphore_mem>>
    %dma_start3A_45 = tpu.memref_squeeze %dma_start3A_44 : memref<1x!tpu.dma_semaphore, #tpu.memory_space<semaphore_mem>> -> memref<!tpu.dma_semaphore, #tpu.memory_space<semaphore_mem>>
    %dma_start3A_46 = arith.constant 32 : i32
    %dma_start3A_47 = arith.constant 0 : i32
    %dma_start3A_48 = arith.constant 0 : i32
    %dma_start3A_49 = tpu.memref_slice %arg1[%dma_start3A_42, %dma_start3A_46, %dma_start3A_47, %dma_start3A_48] : memref<3x64x64x1024xf32, #tpu.memory_space<any>> -> memref<1x8x64x1024xf32, #tpu.memory_space<any>>
    %dma_start3A_50 = tpu.memref_squeeze %dma_start3A_49 : memref<1x8x64x1024xf32, #tpu.memory_space<any>> -> memref<8x64x1024xf32, #tpu.memory_space<any>>
    tpu.enqueue_dma source(%arg2 : memref<8x64x1024xf32, #tpu.memory_space<vmem>>) target(%dma_start3A_50 : memref<8x64x1024xf32, #tpu.memory_space<any>>) target_semaphore(%dma_start3A_45 : memref<!tpu.dma_semaphore, #tpu.memory_space<semaphore_mem>>)
    %dma_start3A_51 = arith.constant 0 : i32
    %dma_start3A_52 = arith.constant 5 : i32
    %dma_start3A_53 = tpu.memref_slice %arg3[%dma_start3A_52] : memref<24x!tpu.dma_semaphore, #tpu.memory_space<semaphore_mem>> -> memref<1x!tpu.dma_semaphore, #tpu.memory_space<semaphore_mem>>
    %dma_start3A_54 = tpu.memref_squeeze %dma_start3A_53 : memref<1x!tpu.dma_semaphore, #tpu.memory_space<semaphore_mem>> -> memref<!tpu.dma_semaphore, #tpu.memory_space<semaphore_mem>>
    %dma_start3A_55 = arith.constant 40 : i32
    %dma_start3A_56 = arith.constant 0 : i32
    %dma_start3A_57 = arith.constant 0 : i32
    %dma_start3A_58 = tpu.memref_slice %arg1[%dma_start3A_51, %dma_start3A_55, %dma_start3A_56, %dma_start3A_57] : memref<3x64x64x1024xf32, #tpu.memory_space<any>> -> memref<1x8x64x1024xf32, #tpu.memory_space<any>>
    %dma_start3A_59 = tpu.memref_squeeze %dma_start3A_58 : memref<1x8x64x1024xf32, #tpu.memory_space<any>> -> memref<8x64x1024xf32, #tpu.memory_space<any>>
    tpu.enqueue_dma source(%arg2 : memref<8x64x1024xf32, #tpu.memory_space<vmem>>) target(%dma_start3A_59 : memref<8x64x1024xf32, #tpu.memory_space<any>>) target_semaphore(%dma_start3A_54 : memref<!tpu.dma_semaphore, #tpu.memory_space<semaphore_mem>>)
    %dma_start3A_60 = arith.constant 0 : i32
    %dma_start3A_61 = arith.constant 6 : i32
    %dma_start3A_62 = tpu.memref_slice %arg3[%dma_start3A_61] : memref<24x!tpu.dma_semaphore, #tpu.memory_space<semaphore_mem>> -> memref<1x!tpu.dma_semaphore, #tpu.memory_space<semaphore_mem>>
    %dma_start3A_63 = tpu.memref_squeeze %dma_start3A_62 : memref<1x!tpu.dma_semaphore, #tpu.memory_space<semaphore_mem>> -> memref<!tpu.dma_semaphore, #tpu.memory_space<semaphore_mem>>
    %dma_start3A_64 = arith.constant 48 : i32
    %dma_start3A_65 = arith.constant 0 : i32
    %dma_start3A_66 = arith.constant 0 : i32
    %dma_start3A_67 = tpu.memref_slice %arg1[%dma_start3A_60, %dma_start3A_64, %dma_start3A_65, %dma_start3A_66] : memref<3x64x64x1024xf32, #tpu.memory_space<any>> -> memref<1x8x64x1024xf32, #tpu.memory_space<any>>
    %dma_start3A_68 = tpu.memref_squeeze %dma_start3A_67 : memref<1x8x64x1024xf32, #tpu.memory_space<any>> -> memref<8x64x1024xf32, #tpu.memory_space<any>>
    tpu.enqueue_dma source(%arg2 : memref<8x64x1024xf32, #tpu.memory_space<vmem>>) target(%dma_start3A_68 : memref<8x64x1024xf32, #tpu.memory_space<any>>) target_semaphore(%dma_start3A_63 : memref<!tpu.dma_semaphore, #tpu.memory_space<semaphore_mem>>)
    %dma_start3A_69 = arith.constant 0 : i32
    %dma_start3A_70 = arith.constant 7 : i32
    %dma_start3A_71 = tpu.memref_slice %arg3[%dma_start3A_70] : memref<24x!tpu.dma_semaphore, #tpu.memory_space<semaphore_mem>> -> memref<1x!tpu.dma_semaphore, #tpu.memory_space<semaphore_mem>>
    %dma_start3A_72 = tpu.memref_squeeze %dma_start3A_71 : memref<1x!tpu.dma_semaphore, #tpu.memory_space<semaphore_mem>> -> memref<!tpu.dma_semaphore, #tpu.memory_space<semaphore_mem>>
    %dma_start3A_73 = arith.constant 56 : i32
    %dma_start3A_74 = arith.constant 0 : i32
    %dma_start3A_75 = arith.constant 0 : i32
    %dma_start3A_76 = tpu.memref_slice %arg1[%dma_start3A_69, %dma_start3A_73, %dma_start3A_74, %dma_start3A_75] : memref<3x64x64x1024xf32, #tpu.memory_space<any>> -> memref<1x8x64x1024xf32, #tpu.memory_space<any>>
    %dma_start3A_77 = tpu.memref_squeeze %dma_start3A_76 : memref<1x8x64x1024xf32, #tpu.memory_space<any>> -> memref<8x64x1024xf32, #tpu.memory_space<any>>
    tpu.enqueue_dma source(%arg2 : memref<8x64x1024xf32, #tpu.memory_space<vmem>>) target(%dma_start3A_77 : memref<8x64x1024xf32, #tpu.memory_space<any>>) target_semaphore(%dma_start3A_72 : memref<!tpu.dma_semaphore, #tpu.memory_space<semaphore_mem>>)
    %dma_start3A_78 = arith.constant 1 : i32
    %dma_start3A_79 = arith.constant 8 : i32
    %dma_start3A_80 = tpu.memref_slice %arg3[%dma_start3A_79] : memref<24x!tpu.dma_semaphore, #tpu.memory_space<semaphore_mem>> -> memref<1x!tpu.dma_semaphore, #tpu.memory_space<semaphore_mem>>
    %dma_start3A_81 = tpu.memref_squeeze %dma_start3A_80 : memref<1x!tpu.dma_semaphore, #tpu.memory_space<semaphore_mem>> -> memref<!tpu.dma_semaphore, #tpu.memory_space<semaphore_mem>>
    %dma_start3A_82 = arith.constant 0 : i32
    %dma_start3A_83 = arith.constant 0 : i32
    %dma_start3A_84 = arith.constant 0 : i32
    %dma_start3A_85 = tpu.memref_slice %arg1[%dma_start3A_78, %dma_start3A_82, %dma_start3A_83, %dma_start3A_84] : memref<3x64x64x1024xf32, #tpu.memory_space<any>> -> memref<1x8x64x1024xf32, #tpu.memory_space<any>>
    %dma_start3A_86 = tpu.memref_squeeze %dma_start3A_85 : memref<1x8x64x1024xf32, #tpu.memory_space<any>> -> memref<8x64x1024xf32, #tpu.memory_space<any>>
    tpu.enqueue_dma source(%arg2 : memref<8x64x1024xf32, #tpu.memory_space<vmem>>) target(%dma_start3A_86 : memref<8x64x1024xf32, #tpu.memory_space<any>>) target_semaphore(%dma_start3A_81 : memref<!tpu.dma_semaphore, #tpu.memory_space<semaphore_mem>>)
    %dma_start3A_87 = arith.constant 1 : i32
    %dma_start3A_88 = arith.constant 9 : i32
    %dma_start3A_89 = tpu.memref_slice %arg3[%dma_start3A_88] : memref<24x!tpu.dma_semaphore, #tpu.memory_space<semaphore_mem>> -> memref<1x!tpu.dma_semaphore, #tpu.memory_space<semaphore_mem>>
    %dma_start3A_90 = tpu.memref_squeeze %dma_start3A_89 : memref<1x!tpu.dma_semaphore, #tpu.memory_space<semaphore_mem>> -> memref<!tpu.dma_semaphore, #tpu.memory_space<semaphore_mem>>
    %dma_start3A_91 = arith.constant 8 : i32
    %dma_start3A_92 = arith.constant 0 : i32
    %dma_start3A_93 = arith.constant 0 : i32
    %dma_start3A_94 = tpu.memref_slice %arg1[%dma_start3A_87, %dma_start3A_91, %dma_start3A_92, %dma_start3A_93] : memref<3x64x64x1024xf32, #tpu.memory_space<any>> -> memref<1x8x64x1024xf32, #tpu.memory_space<any>>
    %dma_start3A_95 = tpu.memref_squeeze %dma_start3A_94 : memref<1x8x64x1024xf32, #tpu.memory_space<any>> -> memref<8x64x1024xf32, #tpu.memory_space<any>>
    tpu.enqueue_dma source(%arg2 : memref<8x64x1024xf32, #tpu.memory_space<vmem>>) target(%dma_start3A_95 : memref<8x64x1024xf32, #tpu.memory_space<any>>) target_semaphore(%dma_start3A_90 : memref<!tpu.dma_semaphore, #tpu.memory_space<semaphore_mem>>)
    %dma_start3A_96 = arith.constant 1 : i32
    %dma_start3A_97 = arith.constant 10 : i32
    %dma_start3A_98 = tpu.memref_slice %arg3[%dma_start3A_97] : memref<24x!tpu.dma_semaphore, #tpu.memory_space<semaphore_mem>> -> memref<1x!tpu.dma_semaphore, #tpu.memory_space<semaphore_mem>>
    %dma_start3A_99 = tpu.memref_squeeze %dma_start3A_98 : memref<1x!tpu.dma_semaphore, #tpu.memory_space<semaphore_mem>> -> memref<!tpu.dma_semaphore, #tpu.memory_space<semaphore_mem>>
    %dma_start3A_100 = arith.constant 16 : i32
    %dma_start3A_101 = arith.constant 0 : i32
    %dma_start3A_102 = arith.constant 0 : i32
    %dma_start3A_103 = tpu.memref_slice %arg1[%dma_start3A_96, %dma_start3A_100, %dma_start3A_101, %dma_start3A_102] : memref<3x64x64x1024xf32, #tpu.memory_space<any>> -> memref<1x8x64x1024xf32, #tpu.memory_space<any>>
    %dma_start3A_104 = tpu.memref_squeeze %dma_start3A_103 : memref<1x8x64x1024xf32, #tpu.memory_space<any>> -> memref<8x64x1024xf32, #tpu.memory_space<any>>
    tpu.enqueue_dma source(%arg2 : memref<8x64x1024xf32, #tpu.memory_space<vmem>>) target(%dma_start3A_104 : memref<8x64x1024xf32, #tpu.memory_space<any>>) target_semaphore(%dma_start3A_99 : memref<!tpu.dma_semaphore, #tpu.memory_space<semaphore_mem>>)
    %dma_start3A_105 = arith.constant 1 : i32
    %dma_start3A_106 = arith.constant 11 : i32
    %dma_start3A_107 = tpu.memref_slice %arg3[%dma_start3A_106] : memref<24x!tpu.dma_semaphore, #tpu.memory_space<semaphore_mem>> -> memref<1x!tpu.dma_semaphore, #tpu.memory_space<semaphore_mem>>
    %dma_start3A_108 = tpu.memref_squeeze %dma_start3A_107 : memref<1x!tpu.dma_semaphore, #tpu.memory_space<semaphore_mem>> -> memref<!tpu.dma_semaphore, #tpu.memory_space<semaphore_mem>>
    %dma_start3A_109 = arith.constant 24 : i32
    %dma_start3A_110 = arith.constant 0 : i32
    %dma_start3A_111 = arith.constant 0 : i32
    %dma_start3A_112 = tpu.memref_slice %arg1[%dma_start3A_105, %dma_start3A_109, %dma_start3A_110, %dma_start3A_111] : memref<3x64x64x1024xf32, #tpu.memory_space<any>> -> memref<1x8x64x1024xf32, #tpu.memory_space<any>>
    %dma_start3A_113 = tpu.memref_squeeze %dma_start3A_112 : memref<1x8x64x1024xf32, #tpu.memory_space<any>> -> memref<8x64x1024xf32, #tpu.memory_space<any>>
    tpu.enqueue_dma source(%arg2 : memref<8x64x1024xf32, #tpu.memory_space<vmem>>) target(%dma_start3A_113 : memref<8x64x1024xf32, #tpu.memory_space<any>>) target_semaphore(%dma_start3A_108 : memref<!tpu.dma_semaphore, #tpu.memory_space<semaphore_mem>>)
    %dma_start3A_114 = arith.constant 1 : i32
    %dma_start3A_115 = arith.constant 12 : i32
    %dma_start3A_116 = tpu.memref_slice %arg3[%dma_start3A_115] : memref<24x!tpu.dma_semaphore, #tpu.memory_space<semaphore_mem>> -> memref<1x!tpu.dma_semaphore, #tpu.memory_space<semaphore_mem>>
    %dma_start3A_117 = tpu.memref_squeeze %dma_start3A_116 : memref<1x!tpu.dma_semaphore, #tpu.memory_space<semaphore_mem>> -> memref<!tpu.dma_semaphore, #tpu.memory_space<semaphore_mem>>
    %dma_start3A_118 = arith.constant 32 : i32
    %dma_start3A_119 = arith.constant 0 : i32
    %dma_start3A_120 = arith.constant 0 : i32
    %dma_start3A_121 = tpu.memref_slice %arg1[%dma_start3A_114, %dma_start3A_118, %dma_start3A_119, %dma_start3A_120] : memref<3x64x64x1024xf32, #tpu.memory_space<any>> -> memref<1x8x64x1024xf32, #tpu.memory_space<any>>
    %dma_start3A_122 = tpu.memref_squeeze %dma_start3A_121 : memref<1x8x64x1024xf32, #tpu.memory_space<any>> -> memref<8x64x1024xf32, #tpu.memory_space<any>>
    tpu.enqueue_dma source(%arg2 : memref<8x64x1024xf32, #tpu.memory_space<vmem>>) target(%dma_start3A_122 : memref<8x64x1024xf32, #tpu.memory_space<any>>) target_semaphore(%dma_start3A_117 : memref<!tpu.dma_semaphore, #tpu.memory_space<semaphore_mem>>)
    %dma_start3A_123 = arith.constant 1 : i32
    %dma_start3A_124 = arith.constant 13 : i32
    %dma_start3A_125 = tpu.memref_slice %arg3[%dma_start3A_124] : memref<24x!tpu.dma_semaphore, #tpu.memory_space<semaphore_mem>> -> memref<1x!tpu.dma_semaphore, #tpu.memory_space<semaphore_mem>>
    %dma_start3A_126 = tpu.memref_squeeze %dma_start3A_125 : memref<1x!tpu.dma_semaphore, #tpu.memory_space<semaphore_mem>> -> memref<!tpu.dma_semaphore, #tpu.memory_space<semaphore_mem>>
    %dma_start3A_127 = arith.constant 40 : i32
    %dma_start3A_128 = arith.constant 0 : i32
    %dma_start3A_129 = arith.constant 0 : i32
    %dma_start3A_130 = tpu.memref_slice %arg1[%dma_start3A_123, %dma_start3A_127, %dma_start3A_128, %dma_start3A_129] : memref<3x64x64x1024xf32, #tpu.memory_space<any>> -> memref<1x8x64x1024xf32, #tpu.memory_space<any>>
    %dma_start3A_131 = tpu.memref_squeeze %dma_start3A_130 : memref<1x8x64x1024xf32, #tpu.memory_space<any>> -> memref<8x64x1024xf32, #tpu.memory_space<any>>
    tpu.enqueue_dma source(%arg2 : memref<8x64x1024xf32, #tpu.memory_space<vmem>>) target(%dma_start3A_131 : memref<8x64x1024xf32, #tpu.memory_space<any>>) target_semaphore(%dma_start3A_126 : memref<!tpu.dma_semaphore, #tpu.memory_space<semaphore_mem>>)
    %dma_start3A_132 = arith.constant 1 : i32
    %dma_start3A_133 = arith.constant 14 : i32
    %dma_start3A_134 = tpu.memref_slice %arg3[%dma_start3A_133] : memref<24x!tpu.dma_semaphore, #tpu.memory_space<semaphore_mem>> -> memref<1x!tpu.dma_semaphore, #tpu.memory_space<semaphore_mem>>
    %dma_start3A_135 = tpu.memref_squeeze %dma_start3A_134 : memref<1x!tpu.dma_semaphore, #tpu.memory_space<semaphore_mem>> -> memref<!tpu.dma_semaphore, #tpu.memory_space<semaphore_mem>>
    %dma_start3A_136 = arith.constant 48 : i32
    %dma_start3A_137 = arith.constant 0 : i32
    %dma_start3A_138 = arith.constant 0 : i32
    %dma_start3A_139 = tpu.memref_slice %arg1[%dma_start3A_132, %dma_start3A_136, %dma_start3A_137, %dma_start3A_138] : memref<3x64x64x1024xf32, #tpu.memory_space<any>> -> memref<1x8x64x1024xf32, #tpu.memory_space<any>>
    %dma_start3A_140 = tpu.memref_squeeze %dma_start3A_139 : memref<1x8x64x1024xf32, #tpu.memory_space<any>> -> memref<8x64x1024xf32, #tpu.memory_space<any>>
    tpu.enqueue_dma source(%arg2 : memref<8x64x1024xf32, #tpu.memory_space<vmem>>) target(%dma_start3A_140 : memref<8x64x1024xf32, #tpu.memory_space<any>>) target_semaphore(%dma_start3A_135 : memref<!tpu.dma_semaphore, #tpu.memory_space<semaphore_mem>>)
    %dma_start3A_141 = arith.constant 1 : i32
    %dma_start3A_142 = arith.constant 15 : i32
    %dma_start3A_143 = tpu.memref_slice %arg3[%dma_start3A_142] : memref<24x!tpu.dma_semaphore, #tpu.memory_space<semaphore_mem>> -> memref<1x!tpu.dma_semaphore, #tpu.memory_space<semaphore_mem>>
    %dma_start3A_144 = tpu.memref_squeeze %dma_start3A_143 : memref<1x!tpu.dma_semaphore, #tpu.memory_space<semaphore_mem>> -> memref<!tpu.dma_semaphore, #tpu.memory_space<semaphore_mem>>
    %dma_start3A_145 = arith.constant 56 : i32
    %dma_start3A_146 = arith.constant 0 : i32
    %dma_start3A_147 = arith.constant 0 : i32
    %dma_start3A_148 = tpu.memref_slice %arg1[%dma_start3A_141, %dma_start3A_145, %dma_start3A_146, %dma_start3A_147] : memref<3x64x64x1024xf32, #tpu.memory_space<any>> -> memref<1x8x64x1024xf32, #tpu.memory_space<any>>
    %dma_start3A_149 = tpu.memref_squeeze %dma_start3A_148 : memref<1x8x64x1024xf32, #tpu.memory_space<any>> -> memref<8x64x1024xf32, #tpu.memory_space<any>>
    tpu.enqueue_dma source(%arg2 : memref<8x64x1024xf32, #tpu.memory_space<vmem>>) target(%dma_start3A_149 : memref<8x64x1024xf32, #tpu.memory_space<any>>) target_semaphore(%dma_start3A_144 : memref<!tpu.dma_semaphore, #tpu.memory_space<semaphore_mem>>)
    %dma_start3A_150 = arith.constant 2 : i32
    %dma_start3A_151 = arith.constant 16 : i32
    %dma_start3A_152 = tpu.memref_slice %arg3[%dma_start3A_151] : memref<24x!tpu.dma_semaphore, #tpu.memory_space<semaphore_mem>> -> memref<1x!tpu.dma_semaphore, #tpu.memory_space<semaphore_mem>>
    %dma_start3A_153 = tpu.memref_squeeze %dma_start3A_152 : memref<1x!tpu.dma_semaphore, #tpu.memory_space<semaphore_mem>> -> memref<!tpu.dma_semaphore, #tpu.memory_space<semaphore_mem>>
    %dma_start3A_154 = arith.constant 0 : i32
    %dma_start3A_155 = arith.constant 0 : i32
    %dma_start3A_156 = arith.constant 0 : i32
    %dma_start3A_157 = tpu.memref_slice %arg1[%dma_start3A_150, %dma_start3A_154, %dma_start3A_155, %dma_start3A_156] : memref<3x64x64x1024xf32, #tpu.memory_space<any>> -> memref<1x8x64x1024xf32, #tpu.memory_space<any>>
    %dma_start3A_158 = tpu.memref_squeeze %dma_start3A_157 : memref<1x8x64x1024xf32, #tpu.memory_space<any>> -> memref<8x64x1024xf32, #tpu.memory_space<any>>
    tpu.enqueue_dma source(%arg2 : memref<8x64x1024xf32, #tpu.memory_space<vmem>>) target(%dma_start3A_158 : memref<8x64x1024xf32, #tpu.memory_space<any>>) target_semaphore(%dma_start3A_153 : memref<!tpu.dma_semaphore, #tpu.memory_space<semaphore_mem>>)
    %dma_start3A_159 = arith.constant 2 : i32
    %dma_start3A_160 = arith.constant 17 : i32
    %dma_start3A_161 = tpu.memref_slice %arg3[%dma_start3A_160] : memref<24x!tpu.dma_semaphore, #tpu.memory_space<semaphore_mem>> -> memref<1x!tpu.dma_semaphore, #tpu.memory_space<semaphore_mem>>
    %dma_start3A_162 = tpu.memref_squeeze %dma_start3A_161 : memref<1x!tpu.dma_semaphore, #tpu.memory_space<semaphore_mem>> -> memref<!tpu.dma_semaphore, #tpu.memory_space<semaphore_mem>>
    %dma_start3A_163 = arith.constant 8 : i32
    %dma_start3A_164 = arith.constant 0 : i32
    %dma_start3A_165 = arith.constant 0 : i32
    %dma_start3A_166 = tpu.memref_slice %arg1[%dma_start3A_159, %dma_start3A_163, %dma_start3A_164, %dma_start3A_165] : memref<3x64x64x1024xf32, #tpu.memory_space<any>> -> memref<1x8x64x1024xf32, #tpu.memory_space<any>>
    %dma_start3A_167 = tpu.memref_squeeze %dma_start3A_166 : memref<1x8x64x1024xf32, #tpu.memory_space<any>> -> memref<8x64x1024xf32, #tpu.memory_space<any>>
    tpu.enqueue_dma source(%arg2 : memref<8x64x1024xf32, #tpu.memory_space<vmem>>) target(%dma_start3A_167 : memref<8x64x1024xf32, #tpu.memory_space<any>>) target_semaphore(%dma_start3A_162 : memref<!tpu.dma_semaphore, #tpu.memory_space<semaphore_mem>>)
    %dma_start3A_168 = arith.constant 2 : i32
    %dma_start3A_169 = arith.constant 18 : i32
    %dma_start3A_170 = tpu.memref_slice %arg3[%dma_start3A_169] : memref<24x!tpu.dma_semaphore, #tpu.memory_space<semaphore_mem>> -> memref<1x!tpu.dma_semaphore, #tpu.memory_space<semaphore_mem>>
    %dma_start3A_171 = tpu.memref_squeeze %dma_start3A_170 : memref<1x!tpu.dma_semaphore, #tpu.memory_space<semaphore_mem>> -> memref<!tpu.dma_semaphore, #tpu.memory_space<semaphore_mem>>
    %dma_start3A_172 = arith.constant 16 : i32
    %dma_start3A_173 = arith.constant 0 : i32
    %dma_start3A_174 = arith.constant 0 : i32
    %dma_start3A_175 = tpu.memref_slice %arg1[%dma_start3A_168, %dma_start3A_172, %dma_start3A_173, %dma_start3A_174] : memref<3x64x64x1024xf32, #tpu.memory_space<any>> -> memref<1x8x64x1024xf32, #tpu.memory_space<any>>
    %dma_start3A_176 = tpu.memref_squeeze %dma_start3A_175 : memref<1x8x64x1024xf32, #tpu.memory_space<any>> -> memref<8x64x1024xf32, #tpu.memory_space<any>>
    tpu.enqueue_dma source(%arg2 : memref<8x64x1024xf32, #tpu.memory_space<vmem>>) target(%dma_start3A_176 : memref<8x64x1024xf32, #tpu.memory_space<any>>) target_semaphore(%dma_start3A_171 : memref<!tpu.dma_semaphore, #tpu.memory_space<semaphore_mem>>)
    %dma_start3A_177 = arith.constant 2 : i32
    %dma_start3A_178 = arith.constant 19 : i32
    %dma_start3A_179 = tpu.memref_slice %arg3[%dma_start3A_178] : memref<24x!tpu.dma_semaphore, #tpu.memory_space<semaphore_mem>> -> memref<1x!tpu.dma_semaphore, #tpu.memory_space<semaphore_mem>>
    %dma_start3A_180 = tpu.memref_squeeze %dma_start3A_179 : memref<1x!tpu.dma_semaphore, #tpu.memory_space<semaphore_mem>> -> memref<!tpu.dma_semaphore, #tpu.memory_space<semaphore_mem>>
    %dma_start3A_181 = arith.constant 24 : i32
    %dma_start3A_182 = arith.constant 0 : i32
    %dma_start3A_183 = arith.constant 0 : i32
    %dma_start3A_184 = tpu.memref_slice %arg1[%dma_start3A_177, %dma_start3A_181, %dma_start3A_182, %dma_start3A_183] : memref<3x64x64x1024xf32, #tpu.memory_space<any>> -> memref<1x8x64x1024xf32, #tpu.memory_space<any>>
    %dma_start3A_185 = tpu.memref_squeeze %dma_start3A_184 : memref<1x8x64x1024xf32, #tpu.memory_space<any>> -> memref<8x64x1024xf32, #tpu.memory_space<any>>
    tpu.enqueue_dma source(%arg2 : memref<8x64x1024xf32, #tpu.memory_space<vmem>>) target(%dma_start3A_185 : memref<8x64x1024xf32, #tpu.memory_space<any>>) target_semaphore(%dma_start3A_180 : memref<!tpu.dma_semaphore, #tpu.memory_space<semaphore_mem>>)
    %dma_start3A_186 = arith.constant 2 : i32
    %dma_start3A_187 = arith.constant 20 : i32
    %dma_start3A_188 = tpu.memref_slice %arg3[%dma_start3A_187] : memref<24x!tpu.dma_semaphore, #tpu.memory_space<semaphore_mem>> -> memref<1x!tpu.dma_semaphore, #tpu.memory_space<semaphore_mem>>
    %dma_start3A_189 = tpu.memref_squeeze %dma_start3A_188 : memref<1x!tpu.dma_semaphore, #tpu.memory_space<semaphore_mem>> -> memref<!tpu.dma_semaphore, #tpu.memory_space<semaphore_mem>>
    %dma_start3A_190 = arith.constant 32 : i32
    %dma_start3A_191 = arith.constant 0 : i32
    %dma_start3A_192 = arith.constant 0 : i32
    %dma_start3A_193 = tpu.memref_slice %arg1[%dma_start3A_186, %dma_start3A_190, %dma_start3A_191, %dma_start3A_192] : memref<3x64x64x1024xf32, #tpu.memory_space<any>> -> memref<1x8x64x1024xf32, #tpu.memory_space<any>>
    %dma_start3A_194 = tpu.memref_squeeze %dma_start3A_193 : memref<1x8x64x1024xf32, #tpu.memory_space<any>> -> memref<8x64x1024xf32, #tpu.memory_space<any>>
    tpu.enqueue_dma source(%arg2 : memref<8x64x1024xf32, #tpu.memory_space<vmem>>) target(%dma_start3A_194 : memref<8x64x1024xf32, #tpu.memory_space<any>>) target_semaphore(%dma_start3A_189 : memref<!tpu.dma_semaphore, #tpu.memory_space<semaphore_mem>>)
    %dma_start3A_195 = arith.constant 2 : i32
    %dma_start3A_196 = arith.constant 21 : i32
    %dma_start3A_197 = tpu.memref_slice %arg3[%dma_start3A_196] : memref<24x!tpu.dma_semaphore, #tpu.memory_space<semaphore_mem>> -> memref<1x!tpu.dma_semaphore, #tpu.memory_space<semaphore_mem>>
    %dma_start3A_198 = tpu.memref_squeeze %dma_start3A_197 : memref<1x!tpu.dma_semaphore, #tpu.memory_space<semaphore_mem>> -> memref<!tpu.dma_semaphore, #tpu.memory_space<semaphore_mem>>
    %dma_start3A_199 = arith.constant 40 : i32
    %dma_start3A_200 = arith.constant 0 : i32
    %dma_start3A_201 = arith.constant 0 : i32
    %dma_start3A_202 = tpu.memref_slice %arg1[%dma_start3A_195, %dma_start3A_199, %dma_start3A_200, %dma_start3A_201] : memref<3x64x64x1024xf32, #tpu.memory_space<any>> -> memref<1x8x64x1024xf32, #tpu.memory_space<any>>
    %dma_start3A_203 = tpu.memref_squeeze %dma_start3A_202 : memref<1x8x64x1024xf32, #tpu.memory_space<any>> -> memref<8x64x1024xf32, #tpu.memory_space<any>>
    tpu.enqueue_dma source(%arg2 : memref<8x64x1024xf32, #tpu.memory_space<vmem>>) target(%dma_start3A_203 : memref<8x64x1024xf32, #tpu.memory_space<any>>) target_semaphore(%dma_start3A_198 : memref<!tpu.dma_semaphore, #tpu.memory_space<semaphore_mem>>)
    %dma_start3A_204 = arith.constant 2 : i32
    %dma_start3A_205 = arith.constant 22 : i32
    %dma_start3A_206 = tpu.memref_slice %arg3[%dma_start3A_205] : memref<24x!tpu.dma_semaphore, #tpu.memory_space<semaphore_mem>> -> memref<1x!tpu.dma_semaphore, #tpu.memory_space<semaphore_mem>>
    %dma_start3A_207 = tpu.memref_squeeze %dma_start3A_206 : memref<1x!tpu.dma_semaphore, #tpu.memory_space<semaphore_mem>> -> memref<!tpu.dma_semaphore, #tpu.memory_space<semaphore_mem>>
    %dma_start3A_208 = arith.constant 48 : i32
    %dma_start3A_209 = arith.constant 0 : i32
    %dma_start3A_210 = arith.constant 0 : i32
    %dma_start3A_211 = tpu.memref_slice %arg1[%dma_start3A_204, %dma_start3A_208, %dma_start3A_209, %dma_start3A_210] : memref<3x64x64x1024xf32, #tpu.memory_space<any>> -> memref<1x8x64x1024xf32, #tpu.memory_space<any>>
    %dma_start3A_212 = tpu.memref_squeeze %dma_start3A_211 : memref<1x8x64x1024xf32, #tpu.memory_space<any>> -> memref<8x64x1024xf32, #tpu.memory_space<any>>
    tpu.enqueue_dma source(%arg2 : memref<8x64x1024xf32, #tpu.memory_space<vmem>>) target(%dma_start3A_212 : memref<8x64x1024xf32, #tpu.memory_space<any>>) target_semaphore(%dma_start3A_207 : memref<!tpu.dma_semaphore, #tpu.memory_space<semaphore_mem>>)
    %dma_start3A_213 = arith.constant 2 : i32
    %dma_start3A_214 = arith.constant 23 : i32
    %dma_start3A_215 = tpu.memref_slice %arg3[%dma_start3A_214] : memref<24x!tpu.dma_semaphore, #tpu.memory_space<semaphore_mem>> -> memref<1x!tpu.dma_semaphore, #tpu.memory_space<semaphore_mem>>
    %dma_start3A_216 = tpu.memref_squeeze %dma_start3A_215 : memref<1x!tpu.dma_semaphore, #tpu.memory_space<semaphore_mem>> -> memref<!tpu.dma_semaphore, #tpu.memory_space<semaphore_mem>>
    %dma_start3A_217 = arith.constant 56 : i32
    %dma_start3A_218 = arith.constant 0 : i32
    %dma_start3A_219 = arith.constant 0 : i32
    %dma_start3A_220 = tpu.memref_slice %arg1[%dma_start3A_213, %dma_start3A_217, %dma_start3A_218, %dma_start3A_219] : memref<3x64x64x1024xf32, #tpu.memory_space<any>> -> memref<1x8x64x1024xf32, #tpu.memory_space<any>>
    %dma_start3A_221 = tpu.memref_squeeze %dma_start3A_220 : memref<1x8x64x1024xf32, #tpu.memory_space<any>> -> memref<8x64x1024xf32, #tpu.memory_space<any>>
    tpu.enqueue_dma source(%arg2 : memref<8x64x1024xf32, #tpu.memory_space<vmem>>) target(%dma_start3A_221 : memref<8x64x1024xf32, #tpu.memory_space<any>>) target_semaphore(%dma_start3A_216 : memref<!tpu.dma_semaphore, #tpu.memory_space<semaphore_mem>>)
    %dma_wait3A = arith.constant 0 : i32
    %dma_wait3A_222 = arith.constant 0 : i32
    %dma_wait3A_223 = tpu.memref_slice %arg3[%dma_wait3A_222] : memref<24x!tpu.dma_semaphore, #tpu.memory_space<semaphore_mem>> -> memref<1x!tpu.dma_semaphore, #tpu.memory_space<semaphore_mem>>
    %dma_wait3A_224 = tpu.memref_squeeze %dma_wait3A_223 : memref<1x!tpu.dma_semaphore, #tpu.memory_space<semaphore_mem>> -> memref<!tpu.dma_semaphore, #tpu.memory_space<semaphore_mem>>
    %dma_wait3A_225 = arith.constant 0 : i32
    %dma_wait3A_226 = arith.constant 0 : i32
    %dma_wait3A_227 = arith.constant 0 : i32
    %dma_wait3A_228 = tpu.memref_slice %arg1[%dma_wait3A, %dma_wait3A_225, %dma_wait3A_226, %dma_wait3A_227] : memref<3x64x64x1024xf32, #tpu.memory_space<any>> -> memref<1x8x64x1024xf32, #tpu.memory_space<any>>
    %dma_wait3A_229 = tpu.memref_squeeze %dma_wait3A_228 : memref<1x8x64x1024xf32, #tpu.memory_space<any>> -> memref<8x64x1024xf32, #tpu.memory_space<any>>
    tpu.wait_dma2 semaphore(%dma_wait3A_224 : memref<!tpu.dma_semaphore, #tpu.memory_space<semaphore_mem>>) src(%arg2 : memref<8x64x1024xf32, #tpu.memory_space<vmem>>) dst(%dma_wait3A_229 : memref<8x64x1024xf32, #tpu.memory_space<any>>)
    %dma_wait3A_230 = arith.constant 0 : i32
    %dma_wait3A_231 = arith.constant 1 : i32
    %dma_wait3A_232 = tpu.memref_slice %arg3[%dma_wait3A_231] : memref<24x!tpu.dma_semaphore, #tpu.memory_space<semaphore_mem>> -> memref<1x!tpu.dma_semaphore, #tpu.memory_space<semaphore_mem>>
    %dma_wait3A_233 = tpu.memref_squeeze %dma_wait3A_232 : memref<1x!tpu.dma_semaphore, #tpu.memory_space<semaphore_mem>> -> memref<!tpu.dma_semaphore, #tpu.memory_space<semaphore_mem>>
    %dma_wait3A_234 = arith.constant 8 : i32
    %dma_wait3A_235 = arith.constant 0 : i32
    %dma_wait3A_236 = arith.constant 0 : i32
    %dma_wait3A_237 = tpu.memref_slice %arg1[%dma_wait3A_230, %dma_wait3A_234, %dma_wait3A_235, %dma_wait3A_236] : memref<3x64x64x1024xf32, #tpu.memory_space<any>> -> memref<1x8x64x1024xf32, #tpu.memory_space<any>>
    %dma_wait3A_238 = tpu.memref_squeeze %dma_wait3A_237 : memref<1x8x64x1024xf32, #tpu.memory_space<any>> -> memref<8x64x1024xf32, #tpu.memory_space<any>>
    tpu.wait_dma2 semaphore(%dma_wait3A_233 : memref<!tpu.dma_semaphore, #tpu.memory_space<semaphore_mem>>) src(%arg2 : memref<8x64x1024xf32, #tpu.memory_space<vmem>>) dst(%dma_wait3A_238 : memref<8x64x1024xf32, #tpu.memory_space<any>>)
    %dma_wait3A_239 = arith.constant 0 : i32
    %dma_wait3A_240 = arith.constant 2 : i32
    %dma_wait3A_241 = tpu.memref_slice %arg3[%dma_wait3A_240] : memref<24x!tpu.dma_semaphore, #tpu.memory_space<semaphore_mem>> -> memref<1x!tpu.dma_semaphore, #tpu.memory_space<semaphore_mem>>
    %dma_wait3A_242 = tpu.memref_squeeze %dma_wait3A_241 : memref<1x!tpu.dma_semaphore, #tpu.memory_space<semaphore_mem>> -> memref<!tpu.dma_semaphore, #tpu.memory_space<semaphore_mem>>
    %dma_wait3A_243 = arith.constant 16 : i32
    %dma_wait3A_244 = arith.constant 0 : i32
    %dma_wait3A_245 = arith.constant 0 : i32
    %dma_wait3A_246 = tpu.memref_slice %arg1[%dma_wait3A_239, %dma_wait3A_243, %dma_wait3A_244, %dma_wait3A_245] : memref<3x64x64x1024xf32, #tpu.memory_space<any>> -> memref<1x8x64x1024xf32, #tpu.memory_space<any>>
    %dma_wait3A_247 = tpu.memref_squeeze %dma_wait3A_246 : memref<1x8x64x1024xf32, #tpu.memory_space<any>> -> memref<8x64x1024xf32, #tpu.memory_space<any>>
    tpu.wait_dma2 semaphore(%dma_wait3A_242 : memref<!tpu.dma_semaphore, #tpu.memory_space<semaphore_mem>>) src(%arg2 : memref<8x64x1024xf32, #tpu.memory_space<vmem>>) dst(%dma_wait3A_247 : memref<8x64x1024xf32, #tpu.memory_space<any>>)
    %dma_wait3A_248 = arith.constant 0 : i32
    %dma_wait3A_249 = arith.constant 3 : i32
    %dma_wait3A_250 = tpu.memref_slice %arg3[%dma_wait3A_249] : memref<24x!tpu.dma_semaphore, #tpu.memory_space<semaphore_mem>> -> memref<1x!tpu.dma_semaphore, #tpu.memory_space<semaphore_mem>>
    %dma_wait3A_251 = tpu.memref_squeeze %dma_wait3A_250 : memref<1x!tpu.dma_semaphore, #tpu.memory_space<semaphore_mem>> -> memref<!tpu.dma_semaphore, #tpu.memory_space<semaphore_mem>>
    %dma_wait3A_252 = arith.constant 24 : i32
    %dma_wait3A_253 = arith.constant 0 : i32
    %dma_wait3A_254 = arith.constant 0 : i32
    %dma_wait3A_255 = tpu.memref_slice %arg1[%dma_wait3A_248, %dma_wait3A_252, %dma_wait3A_253, %dma_wait3A_254] : memref<3x64x64x1024xf32, #tpu.memory_space<any>> -> memref<1x8x64x1024xf32, #tpu.memory_space<any>>
    %dma_wait3A_256 = tpu.memref_squeeze %dma_wait3A_255 : memref<1x8x64x1024xf32, #tpu.memory_space<any>> -> memref<8x64x1024xf32, #tpu.memory_space<any>>
    tpu.wait_dma2 semaphore(%dma_wait3A_251 : memref<!tpu.dma_semaphore, #tpu.memory_space<semaphore_mem>>) src(%arg2 : memref<8x64x1024xf32, #tpu.memory_space<vmem>>) dst(%dma_wait3A_256 : memref<8x64x1024xf32, #tpu.memory_space<any>>)
    %dma_wait3A_257 = arith.constant 0 : i32
    %dma_wait3A_258 = arith.constant 4 : i32
    %dma_wait3A_259 = tpu.memref_slice %arg3[%dma_wait3A_258] : memref<24x!tpu.dma_semaphore, #tpu.memory_space<semaphore_mem>> -> memref<1x!tpu.dma_semaphore, #tpu.memory_space<semaphore_mem>>
    %dma_wait3A_260 = tpu.memref_squeeze %dma_wait3A_259 : memref<1x!tpu.dma_semaphore, #tpu.memory_space<semaphore_mem>> -> memref<!tpu.dma_semaphore, #tpu.memory_space<semaphore_mem>>
    %dma_wait3A_261 = arith.constant 32 : i32
    %dma_wait3A_262 = arith.constant 0 : i32
    %dma_wait3A_263 = arith.constant 0 : i32
    %dma_wait3A_264 = tpu.memref_slice %arg1[%dma_wait3A_257, %dma_wait3A_261, %dma_wait3A_262, %dma_wait3A_263] : memref<3x64x64x1024xf32, #tpu.memory_space<any>> -> memref<1x8x64x1024xf32, #tpu.memory_space<any>>
    %dma_wait3A_265 = tpu.memref_squeeze %dma_wait3A_264 : memref<1x8x64x1024xf32, #tpu.memory_space<any>> -> memref<8x64x1024xf32, #tpu.memory_space<any>>
    tpu.wait_dma2 semaphore(%dma_wait3A_260 : memref<!tpu.dma_semaphore, #tpu.memory_space<semaphore_mem>>) src(%arg2 : memref<8x64x1024xf32, #tpu.memory_space<vmem>>) dst(%dma_wait3A_265 : memref<8x64x1024xf32, #tpu.memory_space<any>>)
    %dma_wait3A_266 = arith.constant 0 : i32
    %dma_wait3A_267 = arith.constant 5 : i32
    %dma_wait3A_268 = tpu.memref_slice %arg3[%dma_wait3A_267] : memref<24x!tpu.dma_semaphore, #tpu.memory_space<semaphore_mem>> -> memref<1x!tpu.dma_semaphore, #tpu.memory_space<semaphore_mem>>
    %dma_wait3A_269 = tpu.memref_squeeze %dma_wait3A_268 : memref<1x!tpu.dma_semaphore, #tpu.memory_space<semaphore_mem>> -> memref<!tpu.dma_semaphore, #tpu.memory_space<semaphore_mem>>
    %dma_wait3A_270 = arith.constant 40 : i32
    %dma_wait3A_271 = arith.constant 0 : i32
    %dma_wait3A_272 = arith.constant 0 : i32
    %dma_wait3A_273 = tpu.memref_slice %arg1[%dma_wait3A_266, %dma_wait3A_270, %dma_wait3A_271, %dma_wait3A_272] : memref<3x64x64x1024xf32, #tpu.memory_space<any>> -> memref<1x8x64x1024xf32, #tpu.memory_space<any>>
    %dma_wait3A_274 = tpu.memref_squeeze %dma_wait3A_273 : memref<1x8x64x1024xf32, #tpu.memory_space<any>> -> memref<8x64x1024xf32, #tpu.memory_space<any>>
    tpu.wait_dma2 semaphore(%dma_wait3A_269 : memref<!tpu.dma_semaphore, #tpu.memory_space<semaphore_mem>>) src(%arg2 : memref<8x64x1024xf32, #tpu.memory_space<vmem>>) dst(%dma_wait3A_274 : memref<8x64x1024xf32, #tpu.memory_space<any>>)
    %dma_wait3A_275 = arith.constant 0 : i32
    %dma_wait3A_276 = arith.constant 6 : i32
    %dma_wait3A_277 = tpu.memref_slice %arg3[%dma_wait3A_276] : memref<24x!tpu.dma_semaphore, #tpu.memory_space<semaphore_mem>> -> memref<1x!tpu.dma_semaphore, #tpu.memory_space<semaphore_mem>>
    %dma_wait3A_278 = tpu.memref_squeeze %dma_wait3A_277 : memref<1x!tpu.dma_semaphore, #tpu.memory_space<semaphore_mem>> -> memref<!tpu.dma_semaphore, #tpu.memory_space<semaphore_mem>>
    %dma_wait3A_279 = arith.constant 48 : i32
    %dma_wait3A_280 = arith.constant 0 : i32
    %dma_wait3A_281 = arith.constant 0 : i32
    %dma_wait3A_282 = tpu.memref_slice %arg1[%dma_wait3A_275, %dma_wait3A_279, %dma_wait3A_280, %dma_wait3A_281] : memref<3x64x64x1024xf32, #tpu.memory_space<any>> -> memref<1x8x64x1024xf32, #tpu.memory_space<any>>
    %dma_wait3A_283 = tpu.memref_squeeze %dma_wait3A_282 : memref<1x8x64x1024xf32, #tpu.memory_space<any>> -> memref<8x64x1024xf32, #tpu.memory_space<any>>
    tpu.wait_dma2 semaphore(%dma_wait3A_278 : memref<!tpu.dma_semaphore, #tpu.memory_space<semaphore_mem>>) src(%arg2 : memref<8x64x1024xf32, #tpu.memory_space<vmem>>) dst(%dma_wait3A_283 : memref<8x64x1024xf32, #tpu.memory_space<any>>)
    %dma_wait3A_284 = arith.constant 0 : i32
    %dma_wait3A_285 = arith.constant 7 : i32
    %dma_wait3A_286 = tpu.memref_slice %arg3[%dma_wait3A_285] : memref<24x!tpu.dma_semaphore, #tpu.memory_space<semaphore_mem>> -> memref<1x!tpu.dma_semaphore, #tpu.memory_space<semaphore_mem>>
    %dma_wait3A_287 = tpu.memref_squeeze %dma_wait3A_286 : memref<1x!tpu.dma_semaphore, #tpu.memory_space<semaphore_mem>> -> memref<!tpu.dma_semaphore, #tpu.memory_space<semaphore_mem>>
    %dma_wait3A_288 = arith.constant 56 : i32
    %dma_wait3A_289 = arith.constant 0 : i32
    %dma_wait3A_290 = arith.constant 0 : i32
    %dma_wait3A_291 = tpu.memref_slice %arg1[%dma_wait3A_284, %dma_wait3A_288, %dma_wait3A_289, %dma_wait3A_290] : memref<3x64x64x1024xf32, #tpu.memory_space<any>> -> memref<1x8x64x1024xf32, #tpu.memory_space<any>>
    %dma_wait3A_292 = tpu.memref_squeeze %dma_wait3A_291 : memref<1x8x64x1024xf32, #tpu.memory_space<any>> -> memref<8x64x1024xf32, #tpu.memory_space<any>>
    tpu.wait_dma2 semaphore(%dma_wait3A_287 : memref<!tpu.dma_semaphore, #tpu.memory_space<semaphore_mem>>) src(%arg2 : memref<8x64x1024xf32, #tpu.memory_space<vmem>>) dst(%dma_wait3A_292 : memref<8x64x1024xf32, #tpu.memory_space<any>>)
    %dma_wait3A_293 = arith.constant 1 : i32
    %dma_wait3A_294 = arith.constant 8 : i32
    %dma_wait3A_295 = tpu.memref_slice %arg3[%dma_wait3A_294] : memref<24x!tpu.dma_semaphore, #tpu.memory_space<semaphore_mem>> -> memref<1x!tpu.dma_semaphore, #tpu.memory_space<semaphore_mem>>
    %dma_wait3A_296 = tpu.memref_squeeze %dma_wait3A_295 : memref<1x!tpu.dma_semaphore, #tpu.memory_space<semaphore_mem>> -> memref<!tpu.dma_semaphore, #tpu.memory_space<semaphore_mem>>
    %dma_wait3A_297 = arith.constant 0 : i32
    %dma_wait3A_298 = arith.constant 0 : i32
    %dma_wait3A_299 = arith.constant 0 : i32
    %dma_wait3A_300 = tpu.memref_slice %arg1[%dma_wait3A_293, %dma_wait3A_297, %dma_wait3A_298, %dma_wait3A_299] : memref<3x64x64x1024xf32, #tpu.memory_space<any>> -> memref<1x8x64x1024xf32, #tpu.memory_space<any>>
    %dma_wait3A_301 = tpu.memref_squeeze %dma_wait3A_300 : memref<1x8x64x1024xf32, #tpu.memory_space<any>> -> memref<8x64x1024xf32, #tpu.memory_space<any>>
    tpu.wait_dma2 semaphore(%dma_wait3A_296 : memref<!tpu.dma_semaphore, #tpu.memory_space<semaphore_mem>>) src(%arg2 : memref<8x64x1024xf32, #tpu.memory_space<vmem>>) dst(%dma_wait3A_301 : memref<8x64x1024xf32, #tpu.memory_space<any>>)
    %dma_wait3A_302 = arith.constant 1 : i32
    %dma_wait3A_303 = arith.constant 9 : i32
    %dma_wait3A_304 = tpu.memref_slice %arg3[%dma_wait3A_303] : memref<24x!tpu.dma_semaphore, #tpu.memory_space<semaphore_mem>> -> memref<1x!tpu.dma_semaphore, #tpu.memory_space<semaphore_mem>>
    %dma_wait3A_305 = tpu.memref_squeeze %dma_wait3A_304 : memref<1x!tpu.dma_semaphore, #tpu.memory_space<semaphore_mem>> -> memref<!tpu.dma_semaphore, #tpu.memory_space<semaphore_mem>>
    %dma_wait3A_306 = arith.constant 8 : i32
    %dma_wait3A_307 = arith.constant 0 : i32
    %dma_wait3A_308 = arith.constant 0 : i32
    %dma_wait3A_309 = tpu.memref_slice %arg1[%dma_wait3A_302, %dma_wait3A_306, %dma_wait3A_307, %dma_wait3A_308] : memref<3x64x64x1024xf32, #tpu.memory_space<any>> -> memref<1x8x64x1024xf32, #tpu.memory_space<any>>
    %dma_wait3A_310 = tpu.memref_squeeze %dma_wait3A_309 : memref<1x8x64x1024xf32, #tpu.memory_space<any>> -> memref<8x64x1024xf32, #tpu.memory_space<any>>
    tpu.wait_dma2 semaphore(%dma_wait3A_305 : memref<!tpu.dma_semaphore, #tpu.memory_space<semaphore_mem>>) src(%arg2 : memref<8x64x1024xf32, #tpu.memory_space<vmem>>) dst(%dma_wait3A_310 : memref<8x64x1024xf32, #tpu.memory_space<any>>)
    %dma_wait3A_311 = arith.constant 1 : i32
    %dma_wait3A_312 = arith.constant 10 : i32
    %dma_wait3A_313 = tpu.memref_slice %arg3[%dma_wait3A_312] : memref<24x!tpu.dma_semaphore, #tpu.memory_space<semaphore_mem>> -> memref<1x!tpu.dma_semaphore, #tpu.memory_space<semaphore_mem>>
    %dma_wait3A_314 = tpu.memref_squeeze %dma_wait3A_313 : memref<1x!tpu.dma_semaphore, #tpu.memory_space<semaphore_mem>> -> memref<!tpu.dma_semaphore, #tpu.memory_space<semaphore_mem>>
    %dma_wait3A_315 = arith.constant 16 : i32
    %dma_wait3A_316 = arith.constant 0 : i32
    %dma_wait3A_317 = arith.constant 0 : i32
    %dma_wait3A_318 = tpu.memref_slice %arg1[%dma_wait3A_311, %dma_wait3A_315, %dma_wait3A_316, %dma_wait3A_317] : memref<3x64x64x1024xf32, #tpu.memory_space<any>> -> memref<1x8x64x1024xf32, #tpu.memory_space<any>>
    %dma_wait3A_319 = tpu.memref_squeeze %dma_wait3A_318 : memref<1x8x64x1024xf32, #tpu.memory_space<any>> -> memref<8x64x1024xf32, #tpu.memory_space<any>>
    tpu.wait_dma2 semaphore(%dma_wait3A_314 : memref<!tpu.dma_semaphore, #tpu.memory_space<semaphore_mem>>) src(%arg2 : memref<8x64x1024xf32, #tpu.memory_space<vmem>>) dst(%dma_wait3A_319 : memref<8x64x1024xf32, #tpu.memory_space<any>>)
    %dma_wait3A_320 = arith.constant 1 : i32
    %dma_wait3A_321 = arith.constant 11 : i32
    %dma_wait3A_322 = tpu.memref_slice %arg3[%dma_wait3A_321] : memref<24x!tpu.dma_semaphore, #tpu.memory_space<semaphore_mem>> -> memref<1x!tpu.dma_semaphore, #tpu.memory_space<semaphore_mem>>
    %dma_wait3A_323 = tpu.memref_squeeze %dma_wait3A_322 : memref<1x!tpu.dma_semaphore, #tpu.memory_space<semaphore_mem>> -> memref<!tpu.dma_semaphore, #tpu.memory_space<semaphore_mem>>
    %dma_wait3A_324 = arith.constant 24 : i32
    %dma_wait3A_325 = arith.constant 0 : i32
    %dma_wait3A_326 = arith.constant 0 : i32
    %dma_wait3A_327 = tpu.memref_slice %arg1[%dma_wait3A_320, %dma_wait3A_324, %dma_wait3A_325, %dma_wait3A_326] : memref<3x64x64x1024xf32, #tpu.memory_space<any>> -> memref<1x8x64x1024xf32, #tpu.memory_space<any>>
    %dma_wait3A_328 = tpu.memref_squeeze %dma_wait3A_327 : memref<1x8x64x1024xf32, #tpu.memory_space<any>> -> memref<8x64x1024xf32, #tpu.memory_space<any>>
    tpu.wait_dma2 semaphore(%dma_wait3A_323 : memref<!tpu.dma_semaphore, #tpu.memory_space<semaphore_mem>>) src(%arg2 : memref<8x64x1024xf32, #tpu.memory_space<vmem>>) dst(%dma_wait3A_328 : memref<8x64x1024xf32, #tpu.memory_space<any>>)
    %dma_wait3A_329 = arith.constant 1 : i32
    %dma_wait3A_330 = arith.constant 12 : i32
    %dma_wait3A_331 = tpu.memref_slice %arg3[%dma_wait3A_330] : memref<24x!tpu.dma_semaphore, #tpu.memory_space<semaphore_mem>> -> memref<1x!tpu.dma_semaphore, #tpu.memory_space<semaphore_mem>>
    %dma_wait3A_332 = tpu.memref_squeeze %dma_wait3A_331 : memref<1x!tpu.dma_semaphore, #tpu.memory_space<semaphore_mem>> -> memref<!tpu.dma_semaphore, #tpu.memory_space<semaphore_mem>>
    %dma_wait3A_333 = arith.constant 32 : i32
    %dma_wait3A_334 = arith.constant 0 : i32
    %dma_wait3A_335 = arith.constant 0 : i32
    %dma_wait3A_336 = tpu.memref_slice %arg1[%dma_wait3A_329, %dma_wait3A_333, %dma_wait3A_334, %dma_wait3A_335] : memref<3x64x64x1024xf32, #tpu.memory_space<any>> -> memref<1x8x64x1024xf32, #tpu.memory_space<any>>
    %dma_wait3A_337 = tpu.memref_squeeze %dma_wait3A_336 : memref<1x8x64x1024xf32, #tpu.memory_space<any>> -> memref<8x64x1024xf32, #tpu.memory_space<any>>
    tpu.wait_dma2 semaphore(%dma_wait3A_332 : memref<!tpu.dma_semaphore, #tpu.memory_space<semaphore_mem>>) src(%arg2 : memref<8x64x1024xf32, #tpu.memory_space<vmem>>) dst(%dma_wait3A_337 : memref<8x64x1024xf32, #tpu.memory_space<any>>)
    %dma_wait3A_338 = arith.constant 1 : i32
    %dma_wait3A_339 = arith.constant 13 : i32
    %dma_wait3A_340 = tpu.memref_slice %arg3[%dma_wait3A_339] : memref<24x!tpu.dma_semaphore, #tpu.memory_space<semaphore_mem>> -> memref<1x!tpu.dma_semaphore, #tpu.memory_space<semaphore_mem>>
    %dma_wait3A_341 = tpu.memref_squeeze %dma_wait3A_340 : memref<1x!tpu.dma_semaphore, #tpu.memory_space<semaphore_mem>> -> memref<!tpu.dma_semaphore, #tpu.memory_space<semaphore_mem>>
    %dma_wait3A_342 = arith.constant 40 : i32
    %dma_wait3A_343 = arith.constant 0 : i32
    %dma_wait3A_344 = arith.constant 0 : i32
    %dma_wait3A_345 = tpu.memref_slice %arg1[%dma_wait3A_338, %dma_wait3A_342, %dma_wait3A_343, %dma_wait3A_344] : memref<3x64x64x1024xf32, #tpu.memory_space<any>> -> memref<1x8x64x1024xf32, #tpu.memory_space<any>>
    %dma_wait3A_346 = tpu.memref_squeeze %dma_wait3A_345 : memref<1x8x64x1024xf32, #tpu.memory_space<any>> -> memref<8x64x1024xf32, #tpu.memory_space<any>>
    tpu.wait_dma2 semaphore(%dma_wait3A_341 : memref<!tpu.dma_semaphore, #tpu.memory_space<semaphore_mem>>) src(%arg2 : memref<8x64x1024xf32, #tpu.memory_space<vmem>>) dst(%dma_wait3A_346 : memref<8x64x1024xf32, #tpu.memory_space<any>>)
    %dma_wait3A_347 = arith.constant 1 : i32
    %dma_wait3A_348 = arith.constant 14 : i32
    %dma_wait3A_349 = tpu.memref_slice %arg3[%dma_wait3A_348] : memref<24x!tpu.dma_semaphore, #tpu.memory_space<semaphore_mem>> -> memref<1x!tpu.dma_semaphore, #tpu.memory_space<semaphore_mem>>
    %dma_wait3A_350 = tpu.memref_squeeze %dma_wait3A_349 : memref<1x!tpu.dma_semaphore, #tpu.memory_space<semaphore_mem>> -> memref<!tpu.dma_semaphore, #tpu.memory_space<semaphore_mem>>
    %dma_wait3A_351 = arith.constant 48 : i32
    %dma_wait3A_352 = arith.constant 0 : i32
    %dma_wait3A_353 = arith.constant 0 : i32
    %dma_wait3A_354 = tpu.memref_slice %arg1[%dma_wait3A_347, %dma_wait3A_351, %dma_wait3A_352, %dma_wait3A_353] : memref<3x64x64x1024xf32, #tpu.memory_space<any>> -> memref<1x8x64x1024xf32, #tpu.memory_space<any>>
    %dma_wait3A_355 = tpu.memref_squeeze %dma_wait3A_354 : memref<1x8x64x1024xf32, #tpu.memory_space<any>> -> memref<8x64x1024xf32, #tpu.memory_space<any>>
    tpu.wait_dma2 semaphore(%dma_wait3A_350 : memref<!tpu.dma_semaphore, #tpu.memory_space<semaphore_mem>>) src(%arg2 : memref<8x64x1024xf32, #tpu.memory_space<vmem>>) dst(%dma_wait3A_355 : memref<8x64x1024xf32, #tpu.memory_space<any>>)
    %dma_wait3A_356 = arith.constant 1 : i32
    %dma_wait3A_357 = arith.constant 15 : i32
    %dma_wait3A_358 = tpu.memref_slice %arg3[%dma_wait3A_357] : memref<24x!tpu.dma_semaphore, #tpu.memory_space<semaphore_mem>> -> memref<1x!tpu.dma_semaphore, #tpu.memory_space<semaphore_mem>>
    %dma_wait3A_359 = tpu.memref_squeeze %dma_wait3A_358 : memref<1x!tpu.dma_semaphore, #tpu.memory_space<semaphore_mem>> -> memref<!tpu.dma_semaphore, #tpu.memory_space<semaphore_mem>>
    %dma_wait3A_360 = arith.constant 56 : i32
    %dma_wait3A_361 = arith.constant 0 : i32
    %dma_wait3A_362 = arith.constant 0 : i32
    %dma_wait3A_363 = tpu.memref_slice %arg1[%dma_wait3A_356, %dma_wait3A_360, %dma_wait3A_361, %dma_wait3A_362] : memref<3x64x64x1024xf32, #tpu.memory_space<any>> -> memref<1x8x64x1024xf32, #tpu.memory_space<any>>
    %dma_wait3A_364 = tpu.memref_squeeze %dma_wait3A_363 : memref<1x8x64x1024xf32, #tpu.memory_space<any>> -> memref<8x64x1024xf32, #tpu.memory_space<any>>
    tpu.wait_dma2 semaphore(%dma_wait3A_359 : memref<!tpu.dma_semaphore, #tpu.memory_space<semaphore_mem>>) src(%arg2 : memref<8x64x1024xf32, #tpu.memory_space<vmem>>) dst(%dma_wait3A_364 : memref<8x64x1024xf32, #tpu.memory_space<any>>)
    %dma_wait3A_365 = arith.constant 2 : i32
    %dma_wait3A_366 = arith.constant 16 : i32
    %dma_wait3A_367 = tpu.memref_slice %arg3[%dma_wait3A_366] : memref<24x!tpu.dma_semaphore, #tpu.memory_space<semaphore_mem>> -> memref<1x!tpu.dma_semaphore, #tpu.memory_space<semaphore_mem>>
    %dma_wait3A_368 = tpu.memref_squeeze %dma_wait3A_367 : memref<1x!tpu.dma_semaphore, #tpu.memory_space<semaphore_mem>> -> memref<!tpu.dma_semaphore, #tpu.memory_space<semaphore_mem>>
    %dma_wait3A_369 = arith.constant 0 : i32
    %dma_wait3A_370 = arith.constant 0 : i32
    %dma_wait3A_371 = arith.constant 0 : i32
    %dma_wait3A_372 = tpu.memref_slice %arg1[%dma_wait3A_365, %dma_wait3A_369, %dma_wait3A_370, %dma_wait3A_371] : memref<3x64x64x1024xf32, #tpu.memory_space<any>> -> memref<1x8x64x1024xf32, #tpu.memory_space<any>>
    %dma_wait3A_373 = tpu.memref_squeeze %dma_wait3A_372 : memref<1x8x64x1024xf32, #tpu.memory_space<any>> -> memref<8x64x1024xf32, #tpu.memory_space<any>>
    tpu.wait_dma2 semaphore(%dma_wait3A_368 : memref<!tpu.dma_semaphore, #tpu.memory_space<semaphore_mem>>) src(%arg2 : memref<8x64x1024xf32, #tpu.memory_space<vmem>>) dst(%dma_wait3A_373 : memref<8x64x1024xf32, #tpu.memory_space<any>>)
    %dma_wait3A_374 = arith.constant 2 : i32
    %dma_wait3A_375 = arith.constant 17 : i32
    %dma_wait3A_376 = tpu.memref_slice %arg3[%dma_wait3A_375] : memref<24x!tpu.dma_semaphore, #tpu.memory_space<semaphore_mem>> -> memref<1x!tpu.dma_semaphore, #tpu.memory_space<semaphore_mem>>
    %dma_wait3A_377 = tpu.memref_squeeze %dma_wait3A_376 : memref<1x!tpu.dma_semaphore, #tpu.memory_space<semaphore_mem>> -> memref<!tpu.dma_semaphore, #tpu.memory_space<semaphore_mem>>
    %dma_wait3A_378 = arith.constant 8 : i32
    %dma_wait3A_379 = arith.constant 0 : i32
    %dma_wait3A_380 = arith.constant 0 : i32
    %dma_wait3A_381 = tpu.memref_slice %arg1[%dma_wait3A_374, %dma_wait3A_378, %dma_wait3A_379, %dma_wait3A_380] : memref<3x64x64x1024xf32, #tpu.memory_space<any>> -> memref<1x8x64x1024xf32, #tpu.memory_space<any>>
    %dma_wait3A_382 = tpu.memref_squeeze %dma_wait3A_381 : memref<1x8x64x1024xf32, #tpu.memory_space<any>> -> memref<8x64x1024xf32, #tpu.memory_space<any>>
    tpu.wait_dma2 semaphore(%dma_wait3A_377 : memref<!tpu.dma_semaphore, #tpu.memory_space<semaphore_mem>>) src(%arg2 : memref<8x64x1024xf32, #tpu.memory_space<vmem>>) dst(%dma_wait3A_382 : memref<8x64x1024xf32, #tpu.memory_space<any>>)
    %dma_wait3A_383 = arith.constant 2 : i32
    %dma_wait3A_384 = arith.constant 18 : i32
    %dma_wait3A_385 = tpu.memref_slice %arg3[%dma_wait3A_384] : memref<24x!tpu.dma_semaphore, #tpu.memory_space<semaphore_mem>> -> memref<1x!tpu.dma_semaphore, #tpu.memory_space<semaphore_mem>>
    %dma_wait3A_386 = tpu.memref_squeeze %dma_wait3A_385 : memref<1x!tpu.dma_semaphore, #tpu.memory_space<semaphore_mem>> -> memref<!tpu.dma_semaphore, #tpu.memory_space<semaphore_mem>>
    %dma_wait3A_387 = arith.constant 16 : i32
    %dma_wait3A_388 = arith.constant 0 : i32
    %dma_wait3A_389 = arith.constant 0 : i32
    %dma_wait3A_390 = tpu.memref_slice %arg1[%dma_wait3A_383, %dma_wait3A_387, %dma_wait3A_388, %dma_wait3A_389] : memref<3x64x64x1024xf32, #tpu.memory_space<any>> -> memref<1x8x64x1024xf32, #tpu.memory_space<any>>
    %dma_wait3A_391 = tpu.memref_squeeze %dma_wait3A_390 : memref<1x8x64x1024xf32, #tpu.memory_space<any>> -> memref<8x64x1024xf32, #tpu.memory_space<any>>
    tpu.wait_dma2 semaphore(%dma_wait3A_386 : memref<!tpu.dma_semaphore, #tpu.memory_space<semaphore_mem>>) src(%arg2 : memref<8x64x1024xf32, #tpu.memory_space<vmem>>) dst(%dma_wait3A_391 : memref<8x64x1024xf32, #tpu.memory_space<any>>)
    %dma_wait3A_392 = arith.constant 2 : i32
    %dma_wait3A_393 = arith.constant 19 : i32
    %dma_wait3A_394 = tpu.memref_slice %arg3[%dma_wait3A_393] : memref<24x!tpu.dma_semaphore, #tpu.memory_space<semaphore_mem>> -> memref<1x!tpu.dma_semaphore, #tpu.memory_space<semaphore_mem>>
    %dma_wait3A_395 = tpu.memref_squeeze %dma_wait3A_394 : memref<1x!tpu.dma_semaphore, #tpu.memory_space<semaphore_mem>> -> memref<!tpu.dma_semaphore, #tpu.memory_space<semaphore_mem>>
    %dma_wait3A_396 = arith.constant 24 : i32
    %dma_wait3A_397 = arith.constant 0 : i32
    %dma_wait3A_398 = arith.constant 0 : i32
    %dma_wait3A_399 = tpu.memref_slice %arg1[%dma_wait3A_392, %dma_wait3A_396, %dma_wait3A_397, %dma_wait3A_398] : memref<3x64x64x1024xf32, #tpu.memory_space<any>> -> memref<1x8x64x1024xf32, #tpu.memory_space<any>>
    %dma_wait3A_400 = tpu.memref_squeeze %dma_wait3A_399 : memref<1x8x64x1024xf32, #tpu.memory_space<any>> -> memref<8x64x1024xf32, #tpu.memory_space<any>>
    tpu.wait_dma2 semaphore(%dma_wait3A_395 : memref<!tpu.dma_semaphore, #tpu.memory_space<semaphore_mem>>) src(%arg2 : memref<8x64x1024xf32, #tpu.memory_space<vmem>>) dst(%dma_wait3A_400 : memref<8x64x1024xf32, #tpu.memory_space<any>>)
    %dma_wait3A_401 = arith.constant 2 : i32
    %dma_wait3A_402 = arith.constant 20 : i32
    %dma_wait3A_403 = tpu.memref_slice %arg3[%dma_wait3A_402] : memref<24x!tpu.dma_semaphore, #tpu.memory_space<semaphore_mem>> -> memref<1x!tpu.dma_semaphore, #tpu.memory_space<semaphore_mem>>
    %dma_wait3A_404 = tpu.memref_squeeze %dma_wait3A_403 : memref<1x!tpu.dma_semaphore, #tpu.memory_space<semaphore_mem>> -> memref<!tpu.dma_semaphore, #tpu.memory_space<semaphore_mem>>
    %dma_wait3A_405 = arith.constant 32 : i32
    %dma_wait3A_406 = arith.constant 0 : i32
    %dma_wait3A_407 = arith.constant 0 : i32
    %dma_wait3A_408 = tpu.memref_slice %arg1[%dma_wait3A_401, %dma_wait3A_405, %dma_wait3A_406, %dma_wait3A_407] : memref<3x64x64x1024xf32, #tpu.memory_space<any>> -> memref<1x8x64x1024xf32, #tpu.memory_space<any>>
    %dma_wait3A_409 = tpu.memref_squeeze %dma_wait3A_408 : memref<1x8x64x1024xf32, #tpu.memory_space<any>> -> memref<8x64x1024xf32, #tpu.memory_space<any>>
    tpu.wait_dma2 semaphore(%dma_wait3A_404 : memref<!tpu.dma_semaphore, #tpu.memory_space<semaphore_mem>>) src(%arg2 : memref<8x64x1024xf32, #tpu.memory_space<vmem>>) dst(%dma_wait3A_409 : memref<8x64x1024xf32, #tpu.memory_space<any>>)
    %dma_wait3A_410 = arith.constant 2 : i32
    %dma_wait3A_411 = arith.constant 21 : i32
    %dma_wait3A_412 = tpu.memref_slice %arg3[%dma_wait3A_411] : memref<24x!tpu.dma_semaphore, #tpu.memory_space<semaphore_mem>> -> memref<1x!tpu.dma_semaphore, #tpu.memory_space<semaphore_mem>>
    %dma_wait3A_413 = tpu.memref_squeeze %dma_wait3A_412 : memref<1x!tpu.dma_semaphore, #tpu.memory_space<semaphore_mem>> -> memref<!tpu.dma_semaphore, #tpu.memory_space<semaphore_mem>>
    %dma_wait3A_414 = arith.constant 40 : i32
    %dma_wait3A_415 = arith.constant 0 : i32
    %dma_wait3A_416 = arith.constant 0 : i32
    %dma_wait3A_417 = tpu.memref_slice %arg1[%dma_wait3A_410, %dma_wait3A_414, %dma_wait3A_415, %dma_wait3A_416] : memref<3x64x64x1024xf32, #tpu.memory_space<any>> -> memref<1x8x64x1024xf32, #tpu.memory_space<any>>
    %dma_wait3A_418 = tpu.memref_squeeze %dma_wait3A_417 : memref<1x8x64x1024xf32, #tpu.memory_space<any>> -> memref<8x64x1024xf32, #tpu.memory_space<any>>
    tpu.wait_dma2 semaphore(%dma_wait3A_413 : memref<!tpu.dma_semaphore, #tpu.memory_space<semaphore_mem>>) src(%arg2 : memref<8x64x1024xf32, #tpu.memory_space<vmem>>) dst(%dma_wait3A_418 : memref<8x64x1024xf32, #tpu.memory_space<any>>)
    %dma_wait3A_419 = arith.constant 2 : i32
    %dma_wait3A_420 = arith.constant 22 : i32
    %dma_wait3A_421 = tpu.memref_slice %arg3[%dma_wait3A_420] : memref<24x!tpu.dma_semaphore, #tpu.memory_space<semaphore_mem>> -> memref<1x!tpu.dma_semaphore, #tpu.memory_space<semaphore_mem>>
    %dma_wait3A_422 = tpu.memref_squeeze %dma_wait3A_421 : memref<1x!tpu.dma_semaphore, #tpu.memory_space<semaphore_mem>> -> memref<!tpu.dma_semaphore, #tpu.memory_space<semaphore_mem>>
    %dma_wait3A_423 = arith.constant 48 : i32
    %dma_wait3A_424 = arith.constant 0 : i32
    %dma_wait3A_425 = arith.constant 0 : i32
    %dma_wait3A_426 = tpu.memref_slice %arg1[%dma_wait3A_419, %dma_wait3A_423, %dma_wait3A_424, %dma_wait3A_425] : memref<3x64x64x1024xf32, #tpu.memory_space<any>> -> memref<1x8x64x1024xf32, #tpu.memory_space<any>>
    %dma_wait3A_427 = tpu.memref_squeeze %dma_wait3A_426 : memref<1x8x64x1024xf32, #tpu.memory_space<any>> -> memref<8x64x1024xf32, #tpu.memory_space<any>>
    tpu.wait_dma2 semaphore(%dma_wait3A_422 : memref<!tpu.dma_semaphore, #tpu.memory_space<semaphore_mem>>) src(%arg2 : memref<8x64x1024xf32, #tpu.memory_space<vmem>>) dst(%dma_wait3A_427 : memref<8x64x1024xf32, #tpu.memory_space<any>>)
    %dma_wait3A_428 = arith.constant 2 : i32
    %dma_wait3A_429 = arith.constant 23 : i32
    %dma_wait3A_430 = tpu.memref_slice %arg3[%dma_wait3A_429] : memref<24x!tpu.dma_semaphore, #tpu.memory_space<semaphore_mem>> -> memref<1x!tpu.dma_semaphore, #tpu.memory_space<semaphore_mem>>
    %dma_wait3A_431 = tpu.memref_squeeze %dma_wait3A_430 : memref<1x!tpu.dma_semaphore, #tpu.memory_space<semaphore_mem>> -> memref<!tpu.dma_semaphore, #tpu.memory_space<semaphore_mem>>
    %dma_wait3A_432 = arith.constant 56 : i32
    %dma_wait3A_433 = arith.constant 0 : i32
    %dma_wait3A_434 = arith.constant 0 : i32
    %dma_wait3A_435 = tpu.memref_slice %arg1[%dma_wait3A_428, %dma_wait3A_432, %dma_wait3A_433, %dma_wait3A_434] : memref<3x64x64x1024xf32, #tpu.memory_space<any>> -> memref<1x8x64x1024xf32, #tpu.memory_space<any>>
    %dma_wait3A_436 = tpu.memref_squeeze %dma_wait3A_435 : memref<1x8x64x1024xf32, #tpu.memory_space<any>> -> memref<8x64x1024xf32, #tpu.memory_space<any>>
    tpu.wait_dma2 semaphore(%dma_wait3A_431 : memref<!tpu.dma_semaphore, #tpu.memory_space<semaphore_mem>>) src(%arg2 : memref<8x64x1024xf32, #tpu.memory_space<vmem>>) dst(%dma_wait3A_436 : memref<8x64x1024xf32, #tpu.memory_space<any>>)
    return
  }
}

</mosaic_0001>

<sc_bundles>
// kernel: kernel.4.cloned.1.call-start
scs
__scs_entry_jumppad:
0x0: {  	(pc) =	sbr.rel $0x88, $3  }
0x1: {  	(tag) =	ssettag $0x0;
	lr =	simm.s32 $0x1  }
0x2: {  	[smem:$0x3F9F] =	sst lr;
	_ =	strace $0xD0000000  }
0x3: {  	_ = 	snop  }
0x4: {  	_ = 	snop  }
0x5: {  	_ = 	snop  }
0x6: {  	_ = 	snop  }
0x7: {  	_ = 	snop  }
__scs_overlays_trampoline_lowered:
0x8: {  	[smem:$0x3FAE] =	sst s0  }
0x9: {  	[smem:$0x3FAF] =	sst s1  }
0xa: {  	[smem:$0x3FB0] =	sst s2  }
0xb: {  	[smem:$0x3FB1] =	sst s3  }
0xc: {  	[smem:$0x3FB2] =	sst s4  }
0xd: {  	[smem:$0x3FB3] =	sst s5  }
0xe: {  	[smem:$0x3FB4] =	sst s6  }
0xf: {  	[smem:$0x3FB5] =	sst s7  }
0x10: {  	[smem:$0x3FB6] =	sst s8  }
0x11: {  	[smem:$0x3FB7] =	sst s9;
	s0 =	simm.s32 @!p0 $0x0  }
0x12: {  	s1 =	sld [smem:$0x3F9D];
	s0 =	simm.s32 @p0 $0x1  }
0x13: {  	[smem:$0x3FB8] =	sst s0;
	s0 =	simm.s32 @!p1 $0x0  }
0x14: {  	s2 =	sld [smem:$0x3F9C];
	s0 =	simm.s32 @p1 $0x1  }
0x15: {  	[smem:$0x3FB9] =	sst s0;
	s0 =	simm.s32 @!p2 $0x0  }
0x16: {  	s3 =	sld [smem:$0x3FDB];
	s0 =	simm.s32 @p2 $0x1  }
0x17: {  	s4 =	simm.s32 $0x1BF5;
	[smem:$0x3FBB] =	sst s0  }
0x18: {  	s0 =	sld [smem:$0x3F9E];
	_ =	swait.ge [sflag:s4], $0x0  }
0x19: {  	s7 =	sld [smem:$0x3F9F]  }
0x1a: {  	s8 =	sadd.s32 $0xFFFFE003, lr  }
0x1b: {  	s9 =	sadd.s32 $0xFFFFFEF7, lr;
	s5 =	simm.s32 $0xFFFFFFFF;
	p2 =	slt.u32 s8, $0xFFFFF086  }
0x1c: {  	p1 =	slt.u32 s9, $0xF7A;
	s5 =	simm.s32 @!p2 $0x0  }
0x1d: {  	s5 =	simm.s32 @p1 $0x1;
	p0 =	seq.s32 s7, s2  }
0x1e: {  	s7 =	smul.u32 @!p0 $0xF7A, s2;
	p2 =	seq.s32 @!p0 s5, $0x0  }
0x1f: {  	s9 =	smul.u32 $0xF7A, s1;
	s8 =	simm.s32 @!p0 $0x1BF5;
	p2 =	por !p2, p0  }
0x20: {  	[sflag:s8] =	ssyncset.s32 @!p0 $0xFFFFF086;
	s6 =	sadd.s32 @!p0 s3, s7;
	s7 =	simm.s32 @!p0 $0x108  }
0x21: {  	s3 =	sadd.s32 s3, s9;
	s6 =	sadd.s32 @!p0 $0x88, s6;
	s7 =	simm.s32 @p2 $0x1082  }
0x22: {  	[simem:s7], [sflag:s8] =	dma.local @!p0 [hbm:s6], $0xF7A  }
0x23: {  	s9 =	sor.u32 $0xD0000000, s2;
	s6 =	simm.s32 $0x108;
	_ =	swait.ge @!p0 [sflag:s8], $0x0  }
0x24: {  	s3 =	sadd.s32 $0x88, s3;
	s6 =	simm.s32 @!p1 $0x1082;
	[sflag:s4] =	ssyncset.s32 $0xFFFFF086  }
0x25: {  	[simem:s6], [sflag:s4] =	dma.local [hbm:s3], $0xF7A  }
0x26: {  	[smem:$0x3F9F] =	sst s1;
	(tag) =	ssettag s2;
	_ =	strace s9  }
0x27: {  	s1 =	sld [smem:$0x3FAF]  }
0x28: {  	s2 =	sld [smem:$0x3FB0]  }
0x29: {  	s4 =	sld [smem:$0x3FB2]  }
0x2a: {  	p0 =	seq.s32 s5, $0x0;
	s5 =	sld [smem:$0x3FB3]  }
0x2b: {  	s6 =	sld [smem:$0x3FB4]  }
0x2c: {  	s7 =	sld [smem:$0x3FB5]  }
0x2d: {  	s3 =	simm.s32 $0x108;
	s8 =	sld [smem:$0x3FB6]  }
0x2e: {  	s3 =	simm.s32 @!p0 $0x1082;
	s9 =	sld [smem:$0x3FB7]  }
0x2f: {  	lr =	sadd.s32 s0, s3;
	s0 =	sld [smem:$0x3FAE]  }
0x30: {  	s3 =	sld [smem:$0x3FB1]  }
0x31: {  	[smem:$0x3FBA] =	sst s10  }
0x32: {  	s10 =	sld [smem:$0x3FB8];
	_ =	sdelay $0x3  }
0x33: {  	p0 =	seq.s32 s10, $0x1;
	s10 =	sld [smem:$0x3FBA];
	_ =	sdelay $0x3  }
0x34: {  	[smem:$0x3FBA] =	sst s10  }
0x35: {  	s10 =	sld [smem:$0x3FB9];
	_ =	sdelay $0x3  }
0x36: {  	p1 =	seq.s32 s10, $0x1;
	s10 =	sld [smem:$0x3FBA];
	_ =	sdelay $0x3  }
0x37: {  	[smem:$0x3FBA] =	sst s10  }
0x38: {  	s10 =	sld [smem:$0x3FBB]  }
0x39: {  	_ = 	snop;
	(pc) =	sbr.ind lr, $3  }
0x3a: {  	_ = 	snop  }
0x3b: {  	_ = 	snop  }
0x3c: {  	p2 =	seq.s32 s10, $0x1;
	s10 =	sld [smem:$0x3FBA]  }
0x3d: {  	_ =	shalt  }
0x3e: {  	_ =	shalt  }
0x3f: {  	_ =	shalt  }
0x40: {  	_ =	shalt  }
0x41: {  	_ =	shalt  }
0x42: {  	_ =	shalt  }
0x43: {  	_ =	shalt  }
0x44: {  	_ =	shalt  }
0x45: {  	_ =	shalt  }
0x46: {  	_ =	shalt  }
0x47: {  	_ =	shalt  }
0x48: {  	_ =	shalt  }
0x49: {  	_ =	shalt  }
0x4a: {  	_ =	shalt  }
0x4b: {  	_ =	shalt  }
0x4c: {  	_ =	shalt  }
0x4d: {  	_ =	shalt  }
0x4e: {  	_ =	shalt  }
0x4f: {  	_ =	shalt  }
0x50: {  	_ =	shalt  }
0x51: {  	_ =	shalt  }
0x52: {  	_ =	shalt  }
0x53: {  	_ =	shalt  }
0x54: {  	_ =	shalt  }
0x55: {  	_ =	shalt  }
0x56: {  	_ =	shalt  }
0x57: {  	_ =	shalt  }
0x58: {  	_ =	shalt  }
0x59: {  	_ =	shalt  }
0x5a: {  	_ =	shalt  }
0x5b: {  	_ =	shalt  }
0x5c: {  	_ =	shalt  }
0x5d: {  	_ =	shalt  }
0x5e: {  	_ =	shalt  }
0x5f: {  	_ =	shalt  }
0x60: {  	_ =	shalt  }
0x61: {  	_ =	shalt  }
0x62: {  	_ =	shalt  }
0x63: {  	_ =	shalt  }
0x64: {  	_ =	shalt  }
0x65: {  	_ =	shalt  }
0x66: {  	_ =	shalt  }
0x67: {  	_ =	shalt  }
0x68: {  	_ =	shalt  }
0x69: {  	_ =	shalt  }
0x6a: {  	_ =	shalt  }
0x6b: {  	_ =	shalt  }
0x6c: {  	_ =	shalt  }
0x6d: {  	_ =	shalt  }
0x6e: {  	_ =	shalt  }
0x6f: {  	_ =	shalt  }
0x70: {  	_ =	shalt  }
0x71: {  	_ =	shalt  }
0x72: {  	_ =	shalt  }
0x73: {  	_ =	shalt  }
0x74: {  	_ =	shalt  }
0x75: {  	_ =	shalt  }
0x76: {  	_ =	shalt  }
0x77: {  	_ =	shalt  }
0x78: {  	_ =	shalt  }
0x79: {  	_ =	shalt  }
0x7a: {  	_ =	shalt  }
0x7b: {  	_ =	shalt  }
0x7c: {  	_ =	shalt  }
0x7d: {  	_ =	shalt  }
0x7e: {  	_ =	shalt  }
0x7f: {  	_ =	shalt  }
0x80: {  	_ =	shalt  }
0x81: {  	_ =	shalt  }
0x82: {  	_ =	shalt  }
0x83: {  	_ =	shalt  }
0x84: {  	_ =	shalt  }
0x85: {  	_ =	shalt  }
0x86: {  	_ =	shalt  }
0x87: {  	_ =	shalt  }
.Lfunc_end0:
.L_simem_size_0:
called_computation_lowered:
.L_overlay_start_0:
0x88: {  	s2 =	sld [smem:$0x3FD9]  }
0x89: {  	s3 =	sld [smem:$0x3FFE];
	_ =	sdelay $0x1  }
0x8a: {  	s1 =	srdreg.scid  }
0x8b: {  	s0 =	sand.u32 $0x1, s1  }
0x8c: {  	s18 =	sshll.u32 s0, $0xA;
	s2 =	sadd.s32 s3, s2  }
0x8d: {  	s2 =	sadd.s32 s2, s18  }
0x8e: {  	[smem:$0x3FC6] =	sst s2  }
0x8f: {  	_ = 	snop  }
0x90: {  	s2 =	sld [smem:$0x3FC9]  }
0x91: {  	s19 =	sld [smem:$0x3FC8]  }
0x92: {  	s4 =	sld [smem:$0x3FD0];
	(tm) =	ssettm $0x1  }
0x93: {  	s5 =	sld [smem:$0x3FFB];
	_ =	sdelay $0x3  }
0x94: {  	_ =	strace s5  }
0x95: {  	s5 =	sld [smem:$0x3FFC];
	_ =	sdelay $0x3  }
0x96: {  	_ =	strace s5  }
0x97: {  	s5 =	sld [smem:$0x3FFD];
	_ =	sdelay $0x3  }
0x98: {  	_ =	strace s5  }
0x99: {  	_ =	strace $0x8FFFFFFF  }
0x9a: {  	s20 =	sld [smem:$0x3FDB];
	_ =	sdelay $0x1  }
0x9b: {  	s6 =	simm.s32 $_scs_section_size  }
0x9c: {  	s7 =	simm.s32 $_size__tile_overlayer_lowered;
	s8 =	simm.s32 $_tile_overlayer_lowered  }
0x9d: {  	s23 =	simm.s32 $0x1BFF;
	s22 =	sshll.u32 s8, $0x1;
	s5 =	sadd.s32 s6, s20  }
0x9e: {  	s9 =	simm.s32 $0x0;
	s21 =	sshll.u32 s7, $0x1;
	s7 =	sadd.s32 s22, s5  }
0x9f: {  	[timem:s9], [sflag:s23] =	dma.local [hbm:s7], s21  }
0xa0: {  	_ =	swait.ge [sflag:s23], s21  }
0xa1: {  	s6 =	ssub.s32 $0x0, s21;
	[sflag:s23] =	ssyncset.done $0x0  }
0xa2: {  	[sflag:s23] =	ssyncadd.s32 s6;
	_ =	sdelay $0x1  }
0xa3: {  	s24 =	simm.s32 $0x1B8B  }
0xa4: {  	_ =	swait.ge [sflag:s24], $0x1  }
0xa5: {  	[sflag:s24] =	ssyncset.done $0x0  }
0xa6: {  	s25 =	simm.s32 $0x1B8E;
	[sflag:s24] =	ssyncadd.s32 $0xFFFFFFFF  }
0xa7: {  	s26 =	simm.s32 $execute0_lowered;
	[smem:$0x3FD2] =	sst s25  }
0xa8: {  	s6 =	sshll.u32 s26, $0x1;
	_ =	strace $0x80000046;
	[dreg:$0x1] =	wrdreg $0xFFFFFFFF  }
0xa9: {  	s28 =	simm.s32 $_size_execute0_lowered;
	s5 =	sadd.s32 s5, s6;
	[dreg:$0x0] =	wrdreg $0x0  }
0xaa: {  	s6 =	sshll.u32 s28, $0x1;
	[dreg:$0x2] =	wrdreg s5  }
0xab: {  	[dreg:$0x3] =	wrdreg s6  }
0xac: {  	[dreg:$0x4] =	wrdreg $0xC0  }
0xad: {  	_ =	task [dreg:s9], $0x5FFFF  }
0xae: {  	[dreg:$0x1] =	wrdreg $0xFFFFFFFF  }
0xaf: {  	[dreg:$0x0] =	wrdreg $0x60  }
0xb0: {  	[dreg:$0x2] =	wrdreg s2  }
0xb1: {  	[dreg:$0x3] =	wrdreg s19  }
0xb2: {  	[dreg:$0x4] =	wrdreg s4  }
0xb3: {  	[dreg:$0x5] =	wrdreg $0x9  }
0xb4: {  	_ =	task.clear_ibuf [dreg:s9], $0x6FFFF;
	_ =	strace $0x90000046  }
0xb5: {  	s29 =	simm.s32 $0x9;
	_ =	strace $0x80000048  }
0xb6: {  	_ =	swait.ge [sflag:s29], $0x1  }
0xb7: {  	[sflag:s29] =	ssyncadd.s32 $0xFFFFFFFF  }
0xb8: {  	_ =	strace $0x90000048  }
0xb9: {  	_ =	sfence  }
0xba: {  	s30 =	sld [smem:$0x0];
	_ =	sdelay $0x2  }
0xbb: {  	s31 =	sshll.u32 s1, $0xD;
	s1 =	sshrl.u32 s1, $0x2  }
0xbc: {  	s3 =	sand.u32 $0x4000, s31;
	s1 =	sadd.s32 s1, s30  }
0xbd: {  	s0 =	sor.u32 s3, s0;
	s1 =	sshll.u32 s1, $0x11  }
0xbe: {  	s0 =	sor.u32 s1, s0  }
0xbf: {  	s0 =	sadd.s32 $0x8F2B, s0  }
0xc0: {  	[sflag:s0] =	ssyncadd.remote.s32 $0x1  }
0xc1: {  	_ =	sfence.sel $0xFFFF  }
0xc2: {  	[dreg:$0x0] =	wrdreg $0xFFFFFFFF;
	(pc) =	sbr.abs _section_cstart, $3  }
0xc3: {  	[dreg:$0x1] =	wrdreg $0xFFFFFFFF  }
0xc4: {  	_ =	task.clear_ibuf [dreg:s9], $0x2FFFF;
	_ =	strace $0x9FFFFFFF  }
0xc5: {  	(tm) =	ssettm $0x7FFFFFFF  }
tec
execute0_lowered:
.L_overlay_start_1:
0x0: {  	(tag) =	ssettag $0x1  }
0x1: {  	s4 =	rddreg [dreg:$0x0]  }
0x2: {  	s2 =	rddreg [dreg:$0x1]  }
0x3: {  	s9 =	rddreg [dreg:$0x2];
	s3 =	srdreg.scid  }
0x4: {  	s0 =	rddreg [dreg:$0x3];
	s1 =	stileid.u32;
	s6 =	sand.u32 $0x1, s3  }
0x5: {  	s3 =	simm.s32 $0x0;
	s5 =	sshll.u32 s1, $0x3;
	s7 =	sshll.u32 s6, $0x2  }
0x6: {  	[smem:$0x7FF] =	sst s3;
	s11 =	ssub.s32 $0x2, s6;
	s10 =	sor.u32 s7, s5  }
0x7: {  	_ =	strace $0x80000047;
	s5 =	sadd.s32 s4, s10;
	s4 =	simm.s32 $0x2  }
0x8: {  	[tilespmem:s3], [sflag:$0x2] =	stream.linear.gather [hbm4b:s5+s3], $0x20, $0x38;
	[tilespmem:$0x100] =	vst v63  }
0x9: {  	s8 =	simm.s32 $0x1;
	s12 =	sshrl.u32 s11, $0x1;
	_ =	swait.ge [sflag:s4], $0x20  }
0xa: {  	s6 =	simm.s32 $0x20;
	s11 =	ssub.s32 s11, s12;
	[sflag:s4] =	ssyncset.done $0x0  }
0xb: {  	s7 =	simm.s32 $0x80;
	s31 =	smax.u32 s11, $0x1;
	[sflag:s4] =	ssyncadd.s32 $0xFFFFFFE0  }
0xc: {  	[tilespmem:s7], [sflag:$0x1] =	stream.indirect.gather [hbm4b:s2+s6], $0x1, s3, s6, $0xb8;
	[tilespmem:$0x100] =	vst v63  }
0xd: {  	p0 =	sne.s32 s31, $0x1;
	_ =	swait.ge [sflag:s8], $0x20  }
.Ltmp0:
0xe: {  	[sflag:s8] =	ssyncset.done $0x0;
	(pc) =	sbr.rel @!p0 .LBB2_2-.Ltmp0, $4  }
0xf: {  	s9 =	sadd.s32 s9, s10;
	[sflag:s8] =	ssyncadd.s32 $0xFFFFFFE0  }
0x10: {  	[hbm4b:s9+s3] =	stream.linear.scatter [tilespmem:s7], [sflag:$0x2], $0x20, $0x38;
	[tilespmem:$0x100] =	vst v63  }
0x11: {  	_ =	swait.ge [sflag:s4], $0x20  }
0x12: {  	s10 =	sadd.s32 $0xFFFFFFFF, s31;
	[sflag:s4] =	ssyncset.done $0x0  }
.LBB2_1:
0x13: {  	p0 =	sne.s32 s10, $0x1;
	s10 =	sadd.s32 $0xFFFFFFFF, s10;
	[sflag:s4] =	ssyncadd.s32 $0xFFFFFFE0  }
0x14: {  	[tilespmem:s3], [sflag:$0x2] =	stream.linear.gather [hbm4b:s5+s3], $0x20, $0x38;
	[tilespmem:$0x100] =	vst v63  }
0x15: {  	_ =	swait.ge [sflag:s4], $0x20  }
0x16: {  	[sflag:s4] =	ssyncset.done $0x0  }
0x17: {  	[sflag:s4] =	ssyncadd.s32 $0xFFFFFFE0  }
0x18: {  	[tilespmem:s7], [sflag:$0x1] =	stream.indirect.gather [hbm4b:s2+s6], $0x1, s3, s6, $0xb8;
	[tilespmem:$0x100] =	vst v63  }
0x19: {  	_ =	swait.ge [sflag:s8], $0x20  }
.Ltmp1:
0x1a: {  	[sflag:s8] =	ssyncset.done $0x0;
	(pc) =	sbr.rel @p0 .LBB2_1-.Ltmp1, $4  }
0x1b: {  	[sflag:s8] =	ssyncadd.s32 $0xFFFFFFE0  }
0x1c: {  	[hbm4b:s9+s3] =	stream.linear.scatter [tilespmem:s7], [sflag:$0x2], $0x20, $0x38;
	[tilespmem:$0x100] =	vst v63  }
0x1d: {  	_ =	swait.ge [sflag:s4], $0x20  }
0x1e: {  	[sflag:s4] =	ssyncset.done $0x0  }
.LBB2_2:
0x1f: {  	[sflag:s4] =	ssyncadd.s32 $0xFFFFFFE0  }
0x20: {  	_ =	sfence.sel $0x180000  }
0x21: {  	[bflag:$0x0] =	sbarrier.arrive $0xFFFF  }
0x22: {  	p0 =	sne.s32 s1, $0x0;
	_ =	strace $0x90000047  }
0x23: {  	s0 =	sadd.s32 @!p0 $0x100000, s0;
	[bflag:$0x2] =	sbarrier.arrive $0xFFFF  }
0x24: {  	[sflag:s0] =	ssyncadd.tile.s32 @!p0 $0x1;
	_ =	shalt  }
.Lfunc_end2:
_tile_overlayer_lowered:
.L_overlay_start_2:
0x25: {  	(tag) =	ssettag $0x2  }
0x26: {  	s0 =	rddreg [dreg:$0x0];
	s2 =	stileid.u32  }
0x27: {  	s1 =	rddreg [dreg:$0x1];
	p0 =	sne.s32 s2, $0x0  }
0x28: {  	s3 =	rddreg [dreg:$0x2];
	[bflag:$0x3] =	sbarrier.arrive $0xFFFF;
	s2 =	simm.s32 @!p0 $0x1C02  }
0x29: {  	[timem:s3], [sflag:s2] =	dma.local @!p0 [hbm:s0], s1  }
0x2a: {  	s0 =	simm.s32 @!p0 $0x2  }
0x2b: {  	_ =	swait.ge @!p0 [sflag:s0], s1  }
0x2c: {  	s1 =	ssub.s32 @!p0 $0x0, s1;
	[sflag:s0] =	ssyncset.done @!p0 $0x0  }
0x2d: {  	[sflag:s0] =	ssyncadd.s32 @!p0 s1  }
0x2e: {  	[bflag:$0x3] =	sbarrier.arrive $0xFFFF  }
0x2f: {  	_ =	shalt  }

</sc_bundles>
